<compile_context>
chip_gen: v7x
topology: tpu7x:2x2x1
jax: 0.10.2.dev20260603
libtpu: 0.0.44.dev20260713+nightly
codegen_flags: <defaults>
</compile_context>

<pallas_src>
import functools

import jax
import jax.numpy as jnp
from jax import lax
from jax.experimental import pallas as pl
from jax.experimental.pallas import tpu as pltpu
from jax.experimental.pallas import tpu_sc as plsc

B = 1024
L = 200
H = 64
NC = 2
NS = 16
NW = NC * NS
BBLK = 128
NBBLK = B // BBLK
L_PER_W = L * NBBLK // NW
UNITS = L_PER_W
LANES = 16


def _add_write(out_hbm, pos_v, rows_v, l0, bblk, u):
    p = [pos_v[u, pl.ds(k * LANES, LANES)] for k in range(H // LANES)]

    def rbody(r, carry):
        for k in range(H // LANES):
            s = pl.ds(k * LANES, LANES)
            rows_v[r, s] = rows_v[r, s] + p[k]
        return carry

    lax.fori_loop(0, BBLK, rbody, 0, unroll=4)
    pltpu.sync_copy(
        rows_v,
        out_hbm.at[pl.ds((l0 + u) * B + bblk * BBLK, BBLK)],
    )


def _emb_body(xT_hbm, tok_hbm, pos_hbm, out_hbm,
              idx_v, pos_v, rows0, rows1, sem0, sem1):
    w = lax.axis_index("s") * NC + lax.axis_index("c")
    bblk = lax.rem(w, NBBLK)
    l0 = lax.div(w, NBBLK) * L_PER_W
    pltpu.sync_copy(
        xT_hbm.at[pl.ds(l0, L_PER_W), pl.ds(bblk * BBLK, BBLK)], idx_v
    )
    pltpu.sync_copy(pos_hbm.at[pl.ds(l0, L_PER_W)], pos_v)

    pltpu.async_copy(tok_hbm.at[idx_v.at[0]], rows0, sem0)

    def pair(j, carry):
        a = 2 * j
        b = a + 1
        pltpu.async_copy(tok_hbm.at[idx_v.at[b]], rows1, sem1)
        pltpu.make_async_copy(tok_hbm.at[idx_v.at[a]], rows0, sem0).wait()
        _add_write(out_hbm, pos_v, rows0, l0, bblk, a)
        nxt = jnp.minimum(a + 2, UNITS - 1)
        pltpu.async_copy(tok_hbm.at[idx_v.at[nxt]], rows0, sem0)
        pltpu.make_async_copy(tok_hbm.at[idx_v.at[b]], rows1, sem1).wait()
        _add_write(out_hbm, pos_v, rows1, l0, bblk, b)
        return carry

    lax.fori_loop(0, UNITS // 2, pair, 0)
    pltpu.make_async_copy(tok_hbm.at[idx_v.at[0]], rows0, sem0).wait()


@functools.cache
def _build_kernel():
    return functools.partial(
        pl.kernel,
        out_type=jax.ShapeDtypeStruct((L * B, H), jnp.float32),
        mesh=plsc.VectorSubcoreMesh(core_axis_name="c", subcore_axis_name="s"),
        scratch_types=[
            pltpu.VMEM((L_PER_W, BBLK), jnp.int32),
            pltpu.VMEM((L_PER_W, H), jnp.float32),
            pltpu.VMEM((BBLK, H), jnp.float32),
            pltpu.VMEM((BBLK, H), jnp.float32),
            pltpu.SemaphoreType.DMA,
            pltpu.SemaphoreType.DMA,
        ],
        compiler_params=pltpu.CompilerParams(use_tc_tiling_on_sc=False),
    )(_emb_body)


def kernel(x, token_table, pos_table):
    out = _build_kernel()(x.T, token_table, pos_table)
    return out.reshape(L, B, H).transpose(1, 0, 2)

# --- scband reference (transcript-rebuilt; emitter-appended) ---
"""Pipeline reference for scband-embedding-layer-6768868458536 (READ-ONLY COPY).

The authoritative reference and input builder live on the scoring server;
editing this copy changes nothing except your own understanding.
"""

import jax, jax.numpy as jnp
import numpy as np

TOKEN_COUNT = 1000000
MAX_SEQ_LEN = 2048
HIDDEN = 64
B = 1024
L = 200

def setup_inputs(seed: int = 0) -> dict:
    key = jax.random.key(seed)
    k1, k2, k3 = jax.random.split(key, 3)
    x = jax.random.randint(k1, (B, L), 0, TOKEN_COUNT, dtype=jnp.int64 if jax.config.jax_enable_x64 else jnp.int32).astype(jnp.int32)
    token_table = jax.random.normal(k2, (TOKEN_COUNT, HIDDEN), dtype=jnp.float32) * 0.02
    pos_table = jax.random.normal(k3, (MAX_SEQ_LEN, HIDDEN), dtype=jnp.float32) * 0.02
    return {"x": x, "token_table": token_table, "pos_table": pos_table}

def reference(x, token_table, pos_table):
    # TokenEmbedding: gather rows of token_table by x -> [B, L, H]
    tok = jnp.take(token_table, x, axis=0)
    # PositionEmbedding: positions = arange(L)[None, :] -> gather -> [1, L, H]
    positions = jnp.arange(x.shape[1])[None, :]
    pos = jnp.take(pos_table, positions, axis=0)
    # broadcast add
    return tok + pos

if __name__ == "__main__":
    import jax
    _d = setup_inputs()
    print(jax.jit(kernel)(*tuple(_d.values())))

</pallas_src>

<mosaic_0001>
#map = affine_map<(d0, d1) -> (0, 0)>
module attributes {stable_mosaic.version = 14 : i64} {
  func.func @_emb_body(%arg0: i32, %arg1: i32, %arg2: memref<200x1024xi32, #tpu.memory_space<hbm>>, %arg3: memref<1000000x64xf32, #tpu.memory_space<hbm>>, %arg4: memref<2048x64xf32, #tpu.memory_space<hbm>>, %arg5: memref<204800x64xf32, #tpu.memory_space<hbm>>, %arg6: memref<50x128xi32, #tpu.memory_space<vmem>>, %arg7: memref<50x64xf32, #tpu.memory_space<vmem>>, %arg8: memref<128x64xf32, #tpu.memory_space<vmem>>, %arg9: memref<128x64xf32, #tpu.memory_space<vmem>>, %arg10: memref<!tpu.dma_semaphore, #tpu.memory_space<semaphore_mem>>, %arg11: memref<!tpu.dma_semaphore, #tpu.memory_space<semaphore_mem>>) attributes {dimension_semantics = [#tpu.dimension_semantics<core_parallel>, #tpu.dimension_semantics<subcore_parallel>], iteration_bounds = array<i64: 2, 16>, scalar_prefetch = 0 : i64, scratch_operands = 6 : i64, tpu.core_type = #tpu.core_type<sc_vector_subcore>, window_params = [{transform_indices = #map}, {transform_indices = #map}, {transform_indices = #map}, {transform_indices = #map}]} {
    %mul3A = arith.constant 2 : i32
    %mul3A_0 = arith.muli %arg1, %mul3A : i32
    %add3A = arith.addi %mul3A_0, %arg0 : i32
    %rem3A = arith.constant 8 : i32
    %rem3A_1 = arith.remsi %add3A, %rem3A : i32
    %div3A = arith.constant 8 : i32
    %div3A_2 = arith.divsi %add3A, %div3A : i32
    %mul3A_3 = arith.constant 50 : i32
    %mul3A_4 = arith.muli %div3A_2, %mul3A_3 : i32
    %mul3A_5 = arith.constant 128 : i32
    %mul3A_6 = arith.muli %rem3A_1, %mul3A_5 : i32
    "tpu.region"() ({
      %run_scoped3A = tpu.sem_alloc : memref<!tpu.dma_semaphore, #tpu.memory_space<semaphore_mem>>
      %dma_start3A_24 = tpu.memref_slice %arg2[%mul3A_4, %mul3A_6] : memref<200x1024xi32, #tpu.memory_space<hbm>> -> memref<50x128xi32, #tpu.memory_space<hbm>>
      %dma_start3A_25 = tpu.memref_slice %arg2[%mul3A_4, %mul3A_6] : memref<200x1024xi32, #tpu.memory_space<hbm>> -> memref<50x128xi32, #tpu.memory_space<hbm>>
      tpu.enqueue_dma source(%dma_start3A_25 : memref<50x128xi32, #tpu.memory_space<hbm>>) target(%arg6 : memref<50x128xi32, #tpu.memory_space<vmem>>) target_semaphore(%run_scoped3A : memref<!tpu.dma_semaphore, #tpu.memory_space<semaphore_mem>>)
      %dma_wait3A_26 = tpu.memref_slice %arg2[%mul3A_4, %mul3A_6] : memref<200x1024xi32, #tpu.memory_space<hbm>> -> memref<50x128xi32, #tpu.memory_space<hbm>>
      %dma_wait3A_27 = tpu.memref_slice %arg2[%mul3A_4, %mul3A_6] : memref<200x1024xi32, #tpu.memory_space<hbm>> -> memref<50x128xi32, #tpu.memory_space<hbm>>
      tpu.wait_dma2 semaphore(%run_scoped3A : memref<!tpu.dma_semaphore, #tpu.memory_space<semaphore_mem>>) src(%dma_wait3A_27 : memref<50x128xi32, #tpu.memory_space<hbm>>) dst(%arg6 : memref<50x128xi32, #tpu.memory_space<vmem>>)
      tpu.yield
    }) : () -> ()
    "tpu.region"() ({
      %run_scoped3A = tpu.sem_alloc : memref<!tpu.dma_semaphore, #tpu.memory_space<semaphore_mem>>
      %dma_start3A_24 = arith.constant 0 : i32
      %dma_start3A_25 = tpu.memref_slice %arg4[%mul3A_4, %dma_start3A_24] : memref<2048x64xf32, #tpu.memory_space<hbm>> -> memref<50x64xf32, #tpu.memory_space<hbm>>
      %dma_start3A_26 = arith.constant 0 : i32
      %dma_start3A_27 = tpu.memref_slice %arg4[%mul3A_4, %dma_start3A_26] : memref<2048x64xf32, #tpu.memory_space<hbm>> -> memref<50x64xf32, #tpu.memory_space<hbm>>
      tpu.enqueue_dma source(%dma_start3A_27 : memref<50x64xf32, #tpu.memory_space<hbm>>) target(%arg7 : memref<50x64xf32, #tpu.memory_space<vmem>>) target_semaphore(%run_scoped3A : memref<!tpu.dma_semaphore, #tpu.memory_space<semaphore_mem>>)
      %dma_wait3A_28 = arith.constant 0 : i32
      %dma_wait3A_29 = tpu.memref_slice %arg4[%mul3A_4, %dma_wait3A_28] : memref<2048x64xf32, #tpu.memory_space<hbm>> -> memref<50x64xf32, #tpu.memory_space<hbm>>
      %dma_wait3A_30 = arith.constant 0 : i32
      %dma_wait3A_31 = tpu.memref_slice %arg4[%mul3A_4, %dma_wait3A_30] : memref<2048x64xf32, #tpu.memory_space<hbm>> -> memref<50x64xf32, #tpu.memory_space<hbm>>
      tpu.wait_dma2 semaphore(%run_scoped3A : memref<!tpu.dma_semaphore, #tpu.memory_space<semaphore_mem>>) src(%dma_wait3A_31 : memref<50x64xf32, #tpu.memory_space<hbm>>) dst(%arg7 : memref<50x64xf32, #tpu.memory_space<vmem>>)
      tpu.yield
    }) : () -> ()
    %dma_start3A = arith.constant 0 : i32
    %dma_start3A_7 = arith.constant 0 : i32
    %dma_start3A_8 = tpu.memref_slice %arg6[%dma_start3A, %dma_start3A_7] : memref<50x128xi32, #tpu.memory_space<vmem>> -> memref<1x128xi32, #tpu.memory_space<vmem>>
    %dma_start3A_9 = tpu.memref_squeeze %dma_start3A_8 : memref<1x128xi32, #tpu.memory_space<vmem>> -> memref<128xi32, #tpu.memory_space<vmem>>
    %dma_start3A_10 = arith.constant 0 : i32
    %dma_start3A_11 = arith.constant 0 : i32
    %dma_start3A_12 = tpu.memref_slice %arg3[%dma_start3A_10, %dma_start3A_11] : memref<1000000x64xf32, #tpu.memory_space<hbm>> -> memref<1000000x64xf32, #tpu.memory_space<hbm>>
    tpu.enqueue_indirect_dma source(%dma_start3A_12 : memref<1000000x64xf32, #tpu.memory_space<hbm>>) target(%arg8 : memref<128x64xf32, #tpu.memory_space<vmem>>) offsets(%dma_start3A_9 : memref<128xi32, #tpu.memory_space<vmem>>) semaphore(%arg10 : memref<!tpu.dma_semaphore, #tpu.memory_space<semaphore_mem>>)
    %scan3A = arith.constant 0 : i32
    %scan3A_13 = arith.constant 0 : i32
    %scan3A_14 = arith.constant 25 : i32
    %scan3A_15 = arith.addi %scan3A_13, %scan3A_14 : i32
    %scan3A_16 = arith.constant 1 : i32
    scf.for %scan3A_24 = %scan3A_13 to %scan3A_15 step %scan3A_16  : i32 {
      %mul3A_25 = arith.constant 2 : i32
      %mul3A_26 = arith.muli %mul3A_25, %scan3A_24 : i32
      %add3A_27 = arith.constant 1 : i32
      %add3A_28 = arith.addi %mul3A_26, %add3A_27 : i32
      %dma_start3A_29 = arith.constant 0 : i32
      %dma_start3A_30 = tpu.memref_slice %arg6[%add3A_28, %dma_start3A_29] : memref<50x128xi32, #tpu.memory_space<vmem>> -> memref<1x128xi32, #tpu.memory_space<vmem>>
      %dma_start3A_31 = tpu.memref_squeeze %dma_start3A_30 : memref<1x128xi32, #tpu.memory_space<vmem>> -> memref<128xi32, #tpu.memory_space<vmem>>
      %dma_start3A_32 = arith.constant 0 : i32
      %dma_start3A_33 = arith.constant 0 : i32
      %dma_start3A_34 = tpu.memref_slice %arg3[%dma_start3A_32, %dma_start3A_33] : memref<1000000x64xf32, #tpu.memory_space<hbm>> -> memref<1000000x64xf32, #tpu.memory_space<hbm>>
      tpu.enqueue_indirect_dma source(%dma_start3A_34 : memref<1000000x64xf32, #tpu.memory_space<hbm>>) target(%arg9 : memref<128x64xf32, #tpu.memory_space<vmem>>) offsets(%dma_start3A_31 : memref<128xi32, #tpu.memory_space<vmem>>) semaphore(%arg11 : memref<!tpu.dma_semaphore, #tpu.memory_space<semaphore_mem>>)
      %dma_wait3A_35 = arith.constant 0 : i32
      %dma_wait3A_36 = tpu.memref_slice %arg6[%mul3A_26, %dma_wait3A_35] : memref<50x128xi32, #tpu.memory_space<vmem>> -> memref<1x128xi32, #tpu.memory_space<vmem>>
      %dma_wait3A_37 = tpu.memref_squeeze %dma_wait3A_36 : memref<1x128xi32, #tpu.memory_space<vmem>> -> memref<128xi32, #tpu.memory_space<vmem>>
      %dma_wait3A_38 = arith.constant 0 : i32
      %dma_wait3A_39 = arith.constant 0 : i32
      %dma_wait3A_40 = tpu.memref_slice %arg3[%dma_wait3A_38, %dma_wait3A_39] : memref<1000000x64xf32, #tpu.memory_space<hbm>> -> memref<1000000x64xf32, #tpu.memory_space<hbm>>
      tpu.wait_indirect_dma semaphore(%arg10 : memref<!tpu.dma_semaphore, #tpu.memory_space<semaphore_mem>>) src(%dma_wait3A_40 : memref<1000000x64xf32, #tpu.memory_space<hbm>>) dst(%arg8 : memref<128x64xf32, #tpu.memory_space<vmem>>)
      %get3A = arith.index_cast %mul3A_26 : i32 to index
      %get3A_41 = arith.constant 0 : index
      %get3A_42 = tpu.vector_load %arg7[%get3A, %get3A_41] {strides = array<i32>} : memref<50x64xf32, #tpu.memory_space<vmem>>, vector<1x16xf32>,
      %get3A_43 = vector.shape_cast %get3A_42 : vector<1x16xf32> to vector<16xf32>
      %get3A_44 = arith.index_cast %mul3A_26 : i32 to index
      %get3A_45 = arith.constant 16 : index
      %get3A_46 = tpu.vector_load %arg7[%get3A_44, %get3A_45] {strides = array<i32>} : memref<50x64xf32, #tpu.memory_space<vmem>>, vector<1x16xf32>,
      %get3A_47 = vector.shape_cast %get3A_46 : vector<1x16xf32> to vector<16xf32>
      %get3A_48 = arith.index_cast %mul3A_26 : i32 to index
      %get3A_49 = arith.constant 32 : index
      %get3A_50 = tpu.vector_load %arg7[%get3A_48, %get3A_49] {strides = array<i32>} : memref<50x64xf32, #tpu.memory_space<vmem>>, vector<1x16xf32>,
      %get3A_51 = vector.shape_cast %get3A_50 : vector<1x16xf32> to vector<16xf32>
      %get3A_52 = arith.index_cast %mul3A_26 : i32 to index
      %get3A_53 = arith.constant 48 : index
      %get3A_54 = tpu.vector_load %arg7[%get3A_52, %get3A_53] {strides = array<i32>} : memref<50x64xf32, #tpu.memory_space<vmem>>, vector<1x16xf32>,
      %get3A_55 = vector.shape_cast %get3A_54 : vector<1x16xf32> to vector<16xf32>
      %scan3A_56 = arith.constant 0 : i32
      %scan3A_57 = arith.constant 0 : i32
      %scan3A_58 = arith.constant 128 : i32
      %scan3A_59 = arith.addi %scan3A_57, %scan3A_58 : i32
      %scan3A_60 = arith.constant 4 : i32
      scf.for %scan3A_111 = %scan3A_57 to %scan3A_59 step %scan3A_60  : i32 {
        %get3A_112 = arith.index_cast %scan3A_111 : i32 to index
        %get3A_113 = arith.constant 0 : index
        %get3A_114 = tpu.vector_load %arg8[%get3A_112, %get3A_113] {strides = array<i32>} : memref<128x64xf32, #tpu.memory_space<vmem>>, vector<1x16xf32>,
        %get3A_115 = vector.shape_cast %get3A_114 : vector<1x16xf32> to vector<16xf32>
        %add3A_116 = arith.addf %get3A_115, %get3A_43 : vector<16xf32>
        %swap3A = arith.index_cast %scan3A_111 : i32 to index
        %swap3A_117 = arith.constant 0 : index
        %swap3A_118 = tpu.vector_load %arg8[%swap3A, %swap3A_117] {strides = array<i32>} : memref<128x64xf32, #tpu.memory_space<vmem>>, vector<1x16xf32>,
        %swap3A_119 = vector.shape_cast %swap3A_118 : vector<1x16xf32> to vector<16xf32>
        %swap3A_120 = vector.shape_cast %add3A_116 : vector<16xf32> to vector<1x16xf32>
        tpu.vector_store %arg8[%swap3A, %swap3A_117], %swap3A_120 {strides = array<i32>} : memref<128x64xf32, #tpu.memory_space<vmem>>, vector<1x16xf32>,
        %get3A_121 = arith.index_cast %scan3A_111 : i32 to index
        %get3A_122 = arith.constant 16 : index
        %get3A_123 = tpu.vector_load %arg8[%get3A_121, %get3A_122] {strides = array<i32>} : memref<128x64xf32, #tpu.memory_space<vmem>>, vector<1x16xf32>,
        %get3A_124 = vector.shape_cast %get3A_123 : vector<1x16xf32> to vector<16xf32>
        %add3A_125 = arith.addf %get3A_124, %get3A_47 : vector<16xf32>
        %swap3A_126 = arith.index_cast %scan3A_111 : i32 to index
        %swap3A_127 = arith.constant 16 : index
        %swap3A_128 = tpu.vector_load %arg8[%swap3A_126, %swap3A_127] {strides = array<i32>} : memref<128x64xf32, #tpu.memory_space<vmem>>, vector<1x16xf32>,
        %swap3A_129 = vector.shape_cast %swap3A_128 : vector<1x16xf32> to vector<16xf32>
        %swap3A_130 = vector.shape_cast %add3A_125 : vector<16xf32> to vector<1x16xf32>
        tpu.vector_store %arg8[%swap3A_126, %swap3A_127], %swap3A_130 {strides = array<i32>} : memref<128x64xf32, #tpu.memory_space<vmem>>, vector<1x16xf32>,
        %get3A_131 = arith.index_cast %scan3A_111 : i32 to index
        %get3A_132 = arith.constant 32 : index
        %get3A_133 = tpu.vector_load %arg8[%get3A_131, %get3A_132] {strides = array<i32>} : memref<128x64xf32, #tpu.memory_space<vmem>>, vector<1x16xf32>,
        %get3A_134 = vector.shape_cast %get3A_133 : vector<1x16xf32> to vector<16xf32>
        %add3A_135 = arith.addf %get3A_134, %get3A_51 : vector<16xf32>
        %swap3A_136 = arith.index_cast %scan3A_111 : i32 to index
        %swap3A_137 = arith.constant 32 : index
        %swap3A_138 = tpu.vector_load %arg8[%swap3A_136, %swap3A_137] {strides = array<i32>} : memref<128x64xf32, #tpu.memory_space<vmem>>, vector<1x16xf32>,
        %swap3A_139 = vector.shape_cast %swap3A_138 : vector<1x16xf32> to vector<16xf32>
        %swap3A_140 = vector.shape_cast %add3A_135 : vector<16xf32> to vector<1x16xf32>
        tpu.vector_store %arg8[%swap3A_136, %swap3A_137], %swap3A_140 {strides = array<i32>} : memref<128x64xf32, #tpu.memory_space<vmem>>, vector<1x16xf32>,
        %get3A_141 = arith.index_cast %scan3A_111 : i32 to index
        %get3A_142 = arith.constant 48 : index
        %get3A_143 = tpu.vector_load %arg8[%get3A_141, %get3A_142] {strides = array<i32>} : memref<128x64xf32, #tpu.memory_space<vmem>>, vector<1x16xf32>,
        %get3A_144 = vector.shape_cast %get3A_143 : vector<1x16xf32> to vector<16xf32>
        %add3A_145 = arith.addf %get3A_144, %get3A_55 : vector<16xf32>
        %swap3A_146 = arith.index_cast %scan3A_111 : i32 to index
        %swap3A_147 = arith.constant 48 : index
        %swap3A_148 = tpu.vector_load %arg8[%swap3A_146, %swap3A_147] {strides = array<i32>} : memref<128x64xf32, #tpu.memory_space<vmem>>, vector<1x16xf32>,
        %swap3A_149 = vector.shape_cast %swap3A_148 : vector<1x16xf32> to vector<16xf32>
        %swap3A_150 = vector.shape_cast %add3A_145 : vector<16xf32> to vector<1x16xf32>
        tpu.vector_store %arg8[%swap3A_146, %swap3A_147], %swap3A_150 {strides = array<i32>} : memref<128x64xf32, #tpu.memory_space<vmem>>, vector<1x16xf32>,
        %scan3A_151 = arith.constant 1 : i32
        %scan3A_152 = arith.addi %scan3A_111, %scan3A_151 : i32
        %get3A_153 = arith.index_cast %scan3A_152 : i32 to index
        %get3A_154 = arith.constant 0 : index
        %get3A_155 = tpu.vector_load %arg8[%get3A_153, %get3A_154] {strides = array<i32>} : memref<128x64xf32, #tpu.memory_space<vmem>>, vector<1x16xf32>,
        %get3A_156 = vector.shape_cast %get3A_155 : vector<1x16xf32> to vector<16xf32>
        %add3A_157 = arith.addf %get3A_156, %get3A_43 : vector<16xf32>
        %swap3A_158 = arith.index_cast %scan3A_152 : i32 to index
        %swap3A_159 = arith.constant 0 : index
        %swap3A_160 = tpu.vector_load %arg8[%swap3A_158, %swap3A_159] {strides = array<i32>} : memref<128x64xf32, #tpu.memory_space<vmem>>, vector<1x16xf32>,
        %swap3A_161 = vector.shape_cast %swap3A_160 : vector<1x16xf32> to vector<16xf32>
        %swap3A_162 = vector.shape_cast %add3A_157 : vector<16xf32> to vector<1x16xf32>
        tpu.vector_store %arg8[%swap3A_158, %swap3A_159], %swap3A_162 {strides = array<i32>} : memref<128x64xf32, #tpu.memory_space<vmem>>, vector<1x16xf32>,
        %get3A_163 = arith.index_cast %scan3A_152 : i32 to index
        %get3A_164 = arith.constant 16 : index
        %get3A_165 = tpu.vector_load %arg8[%get3A_163, %get3A_164] {strides = array<i32>} : memref<128x64xf32, #tpu.memory_space<vmem>>, vector<1x16xf32>,
        %get3A_166 = vector.shape_cast %get3A_165 : vector<1x16xf32> to vector<16xf32>
        %add3A_167 = arith.addf %get3A_166, %get3A_47 : vector<16xf32>
        %swap3A_168 = arith.index_cast %scan3A_152 : i32 to index
        %swap3A_169 = arith.constant 16 : index
        %swap3A_170 = tpu.vector_load %arg8[%swap3A_168, %swap3A_169] {strides = array<i32>} : memref<128x64xf32, #tpu.memory_space<vmem>>, vector<1x16xf32>,
        %swap3A_171 = vector.shape_cast %swap3A_170 : vector<1x16xf32> to vector<16xf32>
        %swap3A_172 = vector.shape_cast %add3A_167 : vector<16xf32> to vector<1x16xf32>
        tpu.vector_store %arg8[%swap3A_168, %swap3A_169], %swap3A_172 {strides = array<i32>} : memref<128x64xf32, #tpu.memory_space<vmem>>, vector<1x16xf32>,
        %get3A_173 = arith.index_cast %scan3A_152 : i32 to index
        %get3A_174 = arith.constant 32 : index
        %get3A_175 = tpu.vector_load %arg8[%get3A_173, %get3A_174] {strides = array<i32>} : memref<128x64xf32, #tpu.memory_space<vmem>>, vector<1x16xf32>,
        %get3A_176 = vector.shape_cast %get3A_175 : vector<1x16xf32> to vector<16xf32>
        %add3A_177 = arith.addf %get3A_176, %get3A_51 : vector<16xf32>
        %swap3A_178 = arith.index_cast %scan3A_152 : i32 to index
        %swap3A_179 = arith.constant 32 : index
        %swap3A_180 = tpu.vector_load %arg8[%swap3A_178, %swap3A_179] {strides = array<i32>} : memref<128x64xf32, #tpu.memory_space<vmem>>, vector<1x16xf32>,
        %swap3A_181 = vector.shape_cast %swap3A_180 : vector<1x16xf32> to vector<16xf32>
        %swap3A_182 = vector.shape_cast %add3A_177 : vector<16xf32> to vector<1x16xf32>
        tpu.vector_store %arg8[%swap3A_178, %swap3A_179], %swap3A_182 {strides = array<i32>} : memref<128x64xf32, #tpu.memory_space<vmem>>, vector<1x16xf32>,
        %get3A_183 = arith.index_cast %scan3A_152 : i32 to index
        %get3A_184 = arith.constant 48 : index
        %get3A_185 = tpu.vector_load %arg8[%get3A_183, %get3A_184] {strides = array<i32>} : memref<128x64xf32, #tpu.memory_space<vmem>>, vector<1x16xf32>,
        %get3A_186 = vector.shape_cast %get3A_185 : vector<1x16xf32> to vector<16xf32>
        %add3A_187 = arith.addf %get3A_186, %get3A_55 : vector<16xf32>
        %swap3A_188 = arith.index_cast %scan3A_152 : i32 to index
        %swap3A_189 = arith.constant 48 : index
        %swap3A_190 = tpu.vector_load %arg8[%swap3A_188, %swap3A_189] {strides = array<i32>} : memref<128x64xf32, #tpu.memory_space<vmem>>, vector<1x16xf32>,
        %swap3A_191 = vector.shape_cast %swap3A_190 : vector<1x16xf32> to vector<16xf32>
        %swap3A_192 = vector.shape_cast %add3A_187 : vector<16xf32> to vector<1x16xf32>
        tpu.vector_store %arg8[%swap3A_188, %swap3A_189], %swap3A_192 {strides = array<i32>} : memref<128x64xf32, #tpu.memory_space<vmem>>, vector<1x16xf32>,
        %scan3A_193 = arith.constant 2 : i32
        %scan3A_194 = arith.addi %scan3A_111, %scan3A_193 : i32
        %get3A_195 = arith.index_cast %scan3A_194 : i32 to index
        %get3A_196 = arith.constant 0 : index
        %get3A_197 = tpu.vector_load %arg8[%get3A_195, %get3A_196] {strides = array<i32>} : memref<128x64xf32, #tpu.memory_space<vmem>>, vector<1x16xf32>,
        %get3A_198 = vector.shape_cast %get3A_197 : vector<1x16xf32> to vector<16xf32>
        %add3A_199 = arith.addf %get3A_198, %get3A_43 : vector<16xf32>
        %swap3A_200 = arith.index_cast %scan3A_194 : i32 to index
        %swap3A_201 = arith.constant 0 : index
        %swap3A_202 = tpu.vector_load %arg8[%swap3A_200, %swap3A_201] {strides = array<i32>} : memref<128x64xf32, #tpu.memory_space<vmem>>, vector<1x16xf32>,
        %swap3A_203 = vector.shape_cast %swap3A_202 : vector<1x16xf32> to vector<16xf32>
        %swap3A_204 = vector.shape_cast %add3A_199 : vector<16xf32> to vector<1x16xf32>
        tpu.vector_store %arg8[%swap3A_200, %swap3A_201], %swap3A_204 {strides = array<i32>} : memref<128x64xf32, #tpu.memory_space<vmem>>, vector<1x16xf32>,
        %get3A_205 = arith.index_cast %scan3A_194 : i32 to index
        %get3A_206 = arith.constant 16 : index
        %get3A_207 = tpu.vector_load %arg8[%get3A_205, %get3A_206] {strides = array<i32>} : memref<128x64xf32, #tpu.memory_space<vmem>>, vector<1x16xf32>,
        %get3A_208 = vector.shape_cast %get3A_207 : vector<1x16xf32> to vector<16xf32>
        %add3A_209 = arith.addf %get3A_208, %get3A_47 : vector<16xf32>
        %swap3A_210 = arith.index_cast %scan3A_194 : i32 to index
        %swap3A_211 = arith.constant 16 : index
        %swap3A_212 = tpu.vector_load %arg8[%swap3A_210, %swap3A_211] {strides = array<i32>} : memref<128x64xf32, #tpu.memory_space<vmem>>, vector<1x16xf32>,
        %swap3A_213 = vector.shape_cast %swap3A_212 : vector<1x16xf32> to vector<16xf32>
        %swap3A_214 = vector.shape_cast %add3A_209 : vector<16xf32> to vector<1x16xf32>
        tpu.vector_store %arg8[%swap3A_210, %swap3A_211], %swap3A_214 {strides = array<i32>} : memref<128x64xf32, #tpu.memory_space<vmem>>, vector<1x16xf32>,
        %get3A_215 = arith.index_cast %scan3A_194 : i32 to index
        %get3A_216 = arith.constant 32 : index
        %get3A_217 = tpu.vector_load %arg8[%get3A_215, %get3A_216] {strides = array<i32>} : memref<128x64xf32, #tpu.memory_space<vmem>>, vector<1x16xf32>,
        %get3A_218 = vector.shape_cast %get3A_217 : vector<1x16xf32> to vector<16xf32>
        %add3A_219 = arith.addf %get3A_218, %get3A_51 : vector<16xf32>
        %swap3A_220 = arith.index_cast %scan3A_194 : i32 to index
        %swap3A_221 = arith.constant 32 : index
        %swap3A_222 = tpu.vector_load %arg8[%swap3A_220, %swap3A_221] {strides = array<i32>} : memref<128x64xf32, #tpu.memory_space<vmem>>, vector<1x16xf32>,
        %swap3A_223 = vector.shape_cast %swap3A_222 : vector<1x16xf32> to vector<16xf32>
        %swap3A_224 = vector.shape_cast %add3A_219 : vector<16xf32> to vector<1x16xf32>
        tpu.vector_store %arg8[%swap3A_220, %swap3A_221], %swap3A_224 {strides = array<i32>} : memref<128x64xf32, #tpu.memory_space<vmem>>, vector<1x16xf32>,
        %get3A_225 = arith.index_cast %scan3A_194 : i32 to index
        %get3A_226 = arith.constant 48 : index
        %get3A_227 = tpu.vector_load %arg8[%get3A_225, %get3A_226] {strides = array<i32>} : memref<128x64xf32, #tpu.memory_space<vmem>>, vector<1x16xf32>,
        %get3A_228 = vector.shape_cast %get3A_227 : vector<1x16xf32> to vector<16xf32>
        %add3A_229 = arith.addf %get3A_228, %get3A_55 : vector<16xf32>
        %swap3A_230 = arith.index_cast %scan3A_194 : i32 to index
        %swap3A_231 = arith.constant 48 : index
        %swap3A_232 = tpu.vector_load %arg8[%swap3A_230, %swap3A_231] {strides = array<i32>} : memref<128x64xf32, #tpu.memory_space<vmem>>, vector<1x16xf32>,
        %swap3A_233 = vector.shape_cast %swap3A_232 : vector<1x16xf32> to vector<16xf32>
        %swap3A_234 = vector.shape_cast %add3A_229 : vector<16xf32> to vector<1x16xf32>
        tpu.vector_store %arg8[%swap3A_230, %swap3A_231], %swap3A_234 {strides = array<i32>} : memref<128x64xf32, #tpu.memory_space<vmem>>, vector<1x16xf32>,
        %scan3A_235 = arith.constant 3 : i32
        %scan3A_236 = arith.addi %scan3A_111, %scan3A_235 : i32
        %get3A_237 = arith.index_cast %scan3A_236 : i32 to index
        %get3A_238 = arith.constant 0 : index
        %get3A_239 = tpu.vector_load %arg8[%get3A_237, %get3A_238] {strides = array<i32>} : memref<128x64xf32, #tpu.memory_space<vmem>>, vector<1x16xf32>,
        %get3A_240 = vector.shape_cast %get3A_239 : vector<1x16xf32> to vector<16xf32>
        %add3A_241 = arith.addf %get3A_240, %get3A_43 : vector<16xf32>
        %swap3A_242 = arith.index_cast %scan3A_236 : i32 to index
        %swap3A_243 = arith.constant 0 : index
        %swap3A_244 = tpu.vector_load %arg8[%swap3A_242, %swap3A_243] {strides = array<i32>} : memref<128x64xf32, #tpu.memory_space<vmem>>, vector<1x16xf32>,
        %swap3A_245 = vector.shape_cast %swap3A_244 : vector<1x16xf32> to vector<16xf32>
        %swap3A_246 = vector.shape_cast %add3A_241 : vector<16xf32> to vector<1x16xf32>
        tpu.vector_store %arg8[%swap3A_242, %swap3A_243], %swap3A_246 {strides = array<i32>} : memref<128x64xf32, #tpu.memory_space<vmem>>, vector<1x16xf32>,
        %get3A_247 = arith.index_cast %scan3A_236 : i32 to index
        %get3A_248 = arith.constant 16 : index
        %get3A_249 = tpu.vector_load %arg8[%get3A_247, %get3A_248] {strides = array<i32>} : memref<128x64xf32, #tpu.memory_space<vmem>>, vector<1x16xf32>,
        %get3A_250 = vector.shape_cast %get3A_249 : vector<1x16xf32> to vector<16xf32>
        %add3A_251 = arith.addf %get3A_250, %get3A_47 : vector<16xf32>
        %swap3A_252 = arith.index_cast %scan3A_236 : i32 to index
        %swap3A_253 = arith.constant 16 : index
        %swap3A_254 = tpu.vector_load %arg8[%swap3A_252, %swap3A_253] {strides = array<i32>} : memref<128x64xf32, #tpu.memory_space<vmem>>, vector<1x16xf32>,
        %swap3A_255 = vector.shape_cast %swap3A_254 : vector<1x16xf32> to vector<16xf32>
        %swap3A_256 = vector.shape_cast %add3A_251 : vector<16xf32> to vector<1x16xf32>
        tpu.vector_store %arg8[%swap3A_252, %swap3A_253], %swap3A_256 {strides = array<i32>} : memref<128x64xf32, #tpu.memory_space<vmem>>, vector<1x16xf32>,
        %get3A_257 = arith.index_cast %scan3A_236 : i32 to index
        %get3A_258 = arith.constant 32 : index
        %get3A_259 = tpu.vector_load %arg8[%get3A_257, %get3A_258] {strides = array<i32>} : memref<128x64xf32, #tpu.memory_space<vmem>>, vector<1x16xf32>,
        %get3A_260 = vector.shape_cast %get3A_259 : vector<1x16xf32> to vector<16xf32>
        %add3A_261 = arith.addf %get3A_260, %get3A_51 : vector<16xf32>
        %swap3A_262 = arith.index_cast %scan3A_236 : i32 to index
        %swap3A_263 = arith.constant 32 : index
        %swap3A_264 = tpu.vector_load %arg8[%swap3A_262, %swap3A_263] {strides = array<i32>} : memref<128x64xf32, #tpu.memory_space<vmem>>, vector<1x16xf32>,
        %swap3A_265 = vector.shape_cast %swap3A_264 : vector<1x16xf32> to vector<16xf32>
        %swap3A_266 = vector.shape_cast %add3A_261 : vector<16xf32> to vector<1x16xf32>
        tpu.vector_store %arg8[%swap3A_262, %swap3A_263], %swap3A_266 {strides = array<i32>} : memref<128x64xf32, #tpu.memory_space<vmem>>, vector<1x16xf32>,
        %get3A_267 = arith.index_cast %scan3A_236 : i32 to index
        %get3A_268 = arith.constant 48 : index
        %get3A_269 = tpu.vector_load %arg8[%get3A_267, %get3A_268] {strides = array<i32>} : memref<128x64xf32, #tpu.memory_space<vmem>>, vector<1x16xf32>,
        %get3A_270 = vector.shape_cast %get3A_269 : vector<1x16xf32> to vector<16xf32>
        %add3A_271 = arith.addf %get3A_270, %get3A_55 : vector<16xf32>
        %swap3A_272 = arith.index_cast %scan3A_236 : i32 to index
        %swap3A_273 = arith.constant 48 : index
        %swap3A_274 = tpu.vector_load %arg8[%swap3A_272, %swap3A_273] {strides = array<i32>} : memref<128x64xf32, #tpu.memory_space<vmem>>, vector<1x16xf32>,
        %swap3A_275 = vector.shape_cast %swap3A_274 : vector<1x16xf32> to vector<16xf32>
        %swap3A_276 = vector.shape_cast %add3A_271 : vector<16xf32> to vector<1x16xf32>
        tpu.vector_store %arg8[%swap3A_272, %swap3A_273], %swap3A_276 {strides = array<i32>} : memref<128x64xf32, #tpu.memory_space<vmem>>, vector<1x16xf32>,
      }
      %scan3A_61 = arith.constant 128 : i32
      %add3A_62 = arith.addi %mul3A_4, %mul3A_26 : i32
      %mul3A_63 = arith.constant 1024 : i32
      %mul3A_64 = arith.muli %add3A_62, %mul3A_63 : i32
      %mul3A_65 = arith.constant 128 : i32
      %mul3A_66 = arith.muli %rem3A_1, %mul3A_65 : i32
      %add3A_67 = arith.addi %mul3A_64, %mul3A_66 : i32
      "tpu.region"() ({
        %run_scoped3A = tpu.sem_alloc : memref<!tpu.dma_semaphore, #tpu.memory_space<semaphore_mem>>
        %dma_start3A_111 = arith.constant 0 : i32
        %dma_start3A_112 = tpu.memref_slice %arg5[%add3A_67, %dma_start3A_111] : memref<204800x64xf32, #tpu.memory_space<hbm>> -> memref<128x64xf32, #tpu.memory_space<hbm>>
        %dma_start3A_113 = arith.constant 0 : i32
        %dma_start3A_114 = tpu.memref_slice %arg5[%add3A_67, %dma_start3A_113] : memref<204800x64xf32, #tpu.memory_space<hbm>> -> memref<128x64xf32, #tpu.memory_space<hbm>>
        tpu.enqueue_dma source(%arg8 : memref<128x64xf32, #tpu.memory_space<vmem>>) target(%dma_start3A_114 : memref<128x64xf32, #tpu.memory_space<hbm>>) target_semaphore(%run_scoped3A : memref<!tpu.dma_semaphore, #tpu.memory_space<semaphore_mem>>)
        %dma_wait3A_115 = arith.constant 0 : i32
        %dma_wait3A_116 = tpu.memref_slice %arg5[%add3A_67, %dma_wait3A_115] : memref<204800x64xf32, #tpu.memory_space<hbm>> -> memref<128x64xf32, #tpu.memory_space<hbm>>
        %dma_wait3A_117 = arith.constant 0 : i32
        %dma_wait3A_118 = tpu.memref_slice %arg5[%add3A_67, %dma_wait3A_117] : memref<204800x64xf32, #tpu.memory_space<hbm>> -> memref<128x64xf32, #tpu.memory_space<hbm>>
        tpu.wait_dma2 semaphore(%run_scoped3A : memref<!tpu.dma_semaphore, #tpu.memory_space<semaphore_mem>>) src(%arg8 : memref<128x64xf32, #tpu.memory_space<vmem>>) dst(%dma_wait3A_118 : memref<128x64xf32, #tpu.memory_space<hbm>>)
        tpu.yield
      }) : () -> ()
      %add3A_68 = arith.constant 2 : i32
      %add3A_69 = arith.addi %mul3A_26, %add3A_68 : i32
      %min3A = arith.constant 49 : i32
      %min3A_70 = arith.minsi %add3A_69, %min3A : i32
      %dma_start3A_71 = arith.constant 0 : i32
      %dma_start3A_72 = tpu.memref_slice %arg6[%min3A_70, %dma_start3A_71] : memref<50x128xi32, #tpu.memory_space<vmem>> -> memref<1x128xi32, #tpu.memory_space<vmem>>
      %dma_start3A_73 = tpu.memref_squeeze %dma_start3A_72 : memref<1x128xi32, #tpu.memory_space<vmem>> -> memref<128xi32, #tpu.memory_space<vmem>>
      %dma_start3A_74 = arith.constant 0 : i32
      %dma_start3A_75 = arith.constant 0 : i32
      %dma_start3A_76 = tpu.memref_slice %arg3[%dma_start3A_74, %dma_start3A_75] : memref<1000000x64xf32, #tpu.memory_space<hbm>> -> memref<1000000x64xf32, #tpu.memory_space<hbm>>
      tpu.enqueue_indirect_dma source(%dma_start3A_76 : memref<1000000x64xf32, #tpu.memory_space<hbm>>) target(%arg8 : memref<128x64xf32, #tpu.memory_space<vmem>>) offsets(%dma_start3A_73 : memref<128xi32, #tpu.memory_space<vmem>>) semaphore(%arg10 : memref<!tpu.dma_semaphore, #tpu.memory_space<semaphore_mem>>)
      %dma_wait3A_77 = arith.constant 0 : i32
      %dma_wait3A_78 = tpu.memref_slice %arg6[%add3A_28, %dma_wait3A_77] : memref<50x128xi32, #tpu.memory_space<vmem>> -> memref<1x128xi32, #tpu.memory_space<vmem>>
      %dma_wait3A_79 = tpu.memref_squeeze %dma_wait3A_78 : memref<1x128xi32, #tpu.memory_space<vmem>> -> memref<128xi32, #tpu.memory_space<vmem>>
      %dma_wait3A_80 = arith.constant 0 : i32
      %dma_wait3A_81 = arith.constant 0 : i32
      %dma_wait3A_82 = tpu.memref_slice %arg3[%dma_wait3A_80, %dma_wait3A_81] : memref<1000000x64xf32, #tpu.memory_space<hbm>> -> memref<1000000x64xf32, #tpu.memory_space<hbm>>
      tpu.wait_indirect_dma semaphore(%arg11 : memref<!tpu.dma_semaphore, #tpu.memory_space<semaphore_mem>>) src(%dma_wait3A_82 : memref<1000000x64xf32, #tpu.memory_space<hbm>>) dst(%arg9 : memref<128x64xf32, #tpu.memory_space<vmem>>)
      %get3A_83 = arith.index_cast %add3A_28 : i32 to index
      %get3A_84 = arith.constant 0 : index
      %get3A_85 = tpu.vector_load %arg7[%get3A_83, %get3A_84] {strides = array<i32>} : memref<50x64xf32, #tpu.memory_space<vmem>>, vector<1x16xf32>,
      %get3A_86 = vector.shape_cast %get3A_85 : vector<1x16xf32> to vector<16xf32>
      %get3A_87 = arith.index_cast %add3A_28 : i32 to index
      %get3A_88 = arith.constant 16 : index
      %get3A_89 = tpu.vector_load %arg7[%get3A_87, %get3A_88] {strides = array<i32>} : memref<50x64xf32, #tpu.memory_space<vmem>>, vector<1x16xf32>,
      %get3A_90 = vector.shape_cast %get3A_89 : vector<1x16xf32> to vector<16xf32>
      %get3A_91 = arith.index_cast %add3A_28 : i32 to index
      %get3A_92 = arith.constant 32 : index
      %get3A_93 = tpu.vector_load %arg7[%get3A_91, %get3A_92] {strides = array<i32>} : memref<50x64xf32, #tpu.memory_space<vmem>>, vector<1x16xf32>,
      %get3A_94 = vector.shape_cast %get3A_93 : vector<1x16xf32> to vector<16xf32>
      %get3A_95 = arith.index_cast %add3A_28 : i32 to index
      %get3A_96 = arith.constant 48 : index
      %get3A_97 = tpu.vector_load %arg7[%get3A_95, %get3A_96] {strides = array<i32>} : memref<50x64xf32, #tpu.memory_space<vmem>>, vector<1x16xf32>,
      %get3A_98 = vector.shape_cast %get3A_97 : vector<1x16xf32> to vector<16xf32>
      %scan3A_99 = arith.constant 0 : i32
      %scan3A_100 = arith.constant 0 : i32
      %scan3A_101 = arith.constant 128 : i32
      %scan3A_102 = arith.addi %scan3A_100, %scan3A_101 : i32
      %scan3A_103 = arith.constant 4 : i32
      scf.for %scan3A_111 = %scan3A_100 to %scan3A_102 step %scan3A_103  : i32 {
        %get3A_112 = arith.index_cast %scan3A_111 : i32 to index
        %get3A_113 = arith.constant 0 : index
        %get3A_114 = tpu.vector_load %arg9[%get3A_112, %get3A_113] {strides = array<i32>} : memref<128x64xf32, #tpu.memory_space<vmem>>, vector<1x16xf32>,
        %get3A_115 = vector.shape_cast %get3A_114 : vector<1x16xf32> to vector<16xf32>
        %add3A_116 = arith.addf %get3A_115, %get3A_86 : vector<16xf32>
        %swap3A = arith.index_cast %scan3A_111 : i32 to index
        %swap3A_117 = arith.constant 0 : index
        %swap3A_118 = tpu.vector_load %arg9[%swap3A, %swap3A_117] {strides = array<i32>} : memref<128x64xf32, #tpu.memory_space<vmem>>, vector<1x16xf32>,
        %swap3A_119 = vector.shape_cast %swap3A_118 : vector<1x16xf32> to vector<16xf32>
        %swap3A_120 = vector.shape_cast %add3A_116 : vector<16xf32> to vector<1x16xf32>
        tpu.vector_store %arg9[%swap3A, %swap3A_117], %swap3A_120 {strides = array<i32>} : memref<128x64xf32, #tpu.memory_space<vmem>>, vector<1x16xf32>,
        %get3A_121 = arith.index_cast %scan3A_111 : i32 to index
        %get3A_122 = arith.constant 16 : index
        %get3A_123 = tpu.vector_load %arg9[%get3A_121, %get3A_122] {strides = array<i32>} : memref<128x64xf32, #tpu.memory_space<vmem>>, vector<1x16xf32>,
        %get3A_124 = vector.shape_cast %get3A_123 : vector<1x16xf32> to vector<16xf32>
        %add3A_125 = arith.addf %get3A_124, %get3A_90 : vector<16xf32>
        %swap3A_126 = arith.index_cast %scan3A_111 : i32 to index
        %swap3A_127 = arith.constant 16 : index
        %swap3A_128 = tpu.vector_load %arg9[%swap3A_126, %swap3A_127] {strides = array<i32>} : memref<128x64xf32, #tpu.memory_space<vmem>>, vector<1x16xf32>,
        %swap3A_129 = vector.shape_cast %swap3A_128 : vector<1x16xf32> to vector<16xf32>
        %swap3A_130 = vector.shape_cast %add3A_125 : vector<16xf32> to vector<1x16xf32>
        tpu.vector_store %arg9[%swap3A_126, %swap3A_127], %swap3A_130 {strides = array<i32>} : memref<128x64xf32, #tpu.memory_space<vmem>>, vector<1x16xf32>,
        %get3A_131 = arith.index_cast %scan3A_111 : i32 to index
        %get3A_132 = arith.constant 32 : index
        %get3A_133 = tpu.vector_load %arg9[%get3A_131, %get3A_132] {strides = array<i32>} : memref<128x64xf32, #tpu.memory_space<vmem>>, vector<1x16xf32>,
        %get3A_134 = vector.shape_cast %get3A_133 : vector<1x16xf32> to vector<16xf32>
        %add3A_135 = arith.addf %get3A_134, %get3A_94 : vector<16xf32>
        %swap3A_136 = arith.index_cast %scan3A_111 : i32 to index
        %swap3A_137 = arith.constant 32 : index
        %swap3A_138 = tpu.vector_load %arg9[%swap3A_136, %swap3A_137] {strides = array<i32>} : memref<128x64xf32, #tpu.memory_space<vmem>>, vector<1x16xf32>,
        %swap3A_139 = vector.shape_cast %swap3A_138 : vector<1x16xf32> to vector<16xf32>
        %swap3A_140 = vector.shape_cast %add3A_135 : vector<16xf32> to vector<1x16xf32>
        tpu.vector_store %arg9[%swap3A_136, %swap3A_137], %swap3A_140 {strides = array<i32>} : memref<128x64xf32, #tpu.memory_space<vmem>>, vector<1x16xf32>,
        %get3A_141 = arith.index_cast %scan3A_111 : i32 to index
        %get3A_142 = arith.constant 48 : index
        %get3A_143 = tpu.vector_load %arg9[%get3A_141, %get3A_142] {strides = array<i32>} : memref<128x64xf32, #tpu.memory_space<vmem>>, vector<1x16xf32>,
        %get3A_144 = vector.shape_cast %get3A_143 : vector<1x16xf32> to vector<16xf32>
        %add3A_145 = arith.addf %get3A_144, %get3A_98 : vector<16xf32>
        %swap3A_146 = arith.index_cast %scan3A_111 : i32 to index
        %swap3A_147 = arith.constant 48 : index
        %swap3A_148 = tpu.vector_load %arg9[%swap3A_146, %swap3A_147] {strides = array<i32>} : memref<128x64xf32, #tpu.memory_space<vmem>>, vector<1x16xf32>,
        %swap3A_149 = vector.shape_cast %swap3A_148 : vector<1x16xf32> to vector<16xf32>
        %swap3A_150 = vector.shape_cast %add3A_145 : vector<16xf32> to vector<1x16xf32>
        tpu.vector_store %arg9[%swap3A_146, %swap3A_147], %swap3A_150 {strides = array<i32>} : memref<128x64xf32, #tpu.memory_space<vmem>>, vector<1x16xf32>,
        %scan3A_151 = arith.constant 1 : i32
        %scan3A_152 = arith.addi %scan3A_111, %scan3A_151 : i32
        %get3A_153 = arith.index_cast %scan3A_152 : i32 to index
        %get3A_154 = arith.constant 0 : index
        %get3A_155 = tpu.vector_load %arg9[%get3A_153, %get3A_154] {strides = array<i32>} : memref<128x64xf32, #tpu.memory_space<vmem>>, vector<1x16xf32>,
        %get3A_156 = vector.shape_cast %get3A_155 : vector<1x16xf32> to vector<16xf32>
        %add3A_157 = arith.addf %get3A_156, %get3A_86 : vector<16xf32>
        %swap3A_158 = arith.index_cast %scan3A_152 : i32 to index
        %swap3A_159 = arith.constant 0 : index
        %swap3A_160 = tpu.vector_load %arg9[%swap3A_158, %swap3A_159] {strides = array<i32>} : memref<128x64xf32, #tpu.memory_space<vmem>>, vector<1x16xf32>,
        %swap3A_161 = vector.shape_cast %swap3A_160 : vector<1x16xf32> to vector<16xf32>
        %swap3A_162 = vector.shape_cast %add3A_157 : vector<16xf32> to vector<1x16xf32>
        tpu.vector_store %arg9[%swap3A_158, %swap3A_159], %swap3A_162 {strides = array<i32>} : memref<128x64xf32, #tpu.memory_space<vmem>>, vector<1x16xf32>,
        %get3A_163 = arith.index_cast %scan3A_152 : i32 to index
        %get3A_164 = arith.constant 16 : index
        %get3A_165 = tpu.vector_load %arg9[%get3A_163, %get3A_164] {strides = array<i32>} : memref<128x64xf32, #tpu.memory_space<vmem>>, vector<1x16xf32>,
        %get3A_166 = vector.shape_cast %get3A_165 : vector<1x16xf32> to vector<16xf32>
        %add3A_167 = arith.addf %get3A_166, %get3A_90 : vector<16xf32>
        %swap3A_168 = arith.index_cast %scan3A_152 : i32 to index
        %swap3A_169 = arith.constant 16 : index
        %swap3A_170 = tpu.vector_load %arg9[%swap3A_168, %swap3A_169] {strides = array<i32>} : memref<128x64xf32, #tpu.memory_space<vmem>>, vector<1x16xf32>,
        %swap3A_171 = vector.shape_cast %swap3A_170 : vector<1x16xf32> to vector<16xf32>
        %swap3A_172 = vector.shape_cast %add3A_167 : vector<16xf32> to vector<1x16xf32>
        tpu.vector_store %arg9[%swap3A_168, %swap3A_169], %swap3A_172 {strides = array<i32>} : memref<128x64xf32, #tpu.memory_space<vmem>>, vector<1x16xf32>,
        %get3A_173 = arith.index_cast %scan3A_152 : i32 to index
        %get3A_174 = arith.constant 32 : index
        %get3A_175 = tpu.vector_load %arg9[%get3A_173, %get3A_174] {strides = array<i32>} : memref<128x64xf32, #tpu.memory_space<vmem>>, vector<1x16xf32>,
        %get3A_176 = vector.shape_cast %get3A_175 : vector<1x16xf32> to vector<16xf32>
        %add3A_177 = arith.addf %get3A_176, %get3A_94 : vector<16xf32>
        %swap3A_178 = arith.index_cast %scan3A_152 : i32 to index
        %swap3A_179 = arith.constant 32 : index
        %swap3A_180 = tpu.vector_load %arg9[%swap3A_178, %swap3A_179] {strides = array<i32>} : memref<128x64xf32, #tpu.memory_space<vmem>>, vector<1x16xf32>,
        %swap3A_181 = vector.shape_cast %swap3A_180 : vector<1x16xf32> to vector<16xf32>
        %swap3A_182 = vector.shape_cast %add3A_177 : vector<16xf32> to vector<1x16xf32>
        tpu.vector_store %arg9[%swap3A_178, %swap3A_179], %swap3A_182 {strides = array<i32>} : memref<128x64xf32, #tpu.memory_space<vmem>>, vector<1x16xf32>,
        %get3A_183 = arith.index_cast %scan3A_152 : i32 to index
        %get3A_184 = arith.constant 48 : index
        %get3A_185 = tpu.vector_load %arg9[%get3A_183, %get3A_184] {strides = array<i32>} : memref<128x64xf32, #tpu.memory_space<vmem>>, vector<1x16xf32>,
        %get3A_186 = vector.shape_cast %get3A_185 : vector<1x16xf32> to vector<16xf32>
        %add3A_187 = arith.addf %get3A_186, %get3A_98 : vector<16xf32>
        %swap3A_188 = arith.index_cast %scan3A_152 : i32 to index
        %swap3A_189 = arith.constant 48 : index
        %swap3A_190 = tpu.vector_load %arg9[%swap3A_188, %swap3A_189] {strides = array<i32>} : memref<128x64xf32, #tpu.memory_space<vmem>>, vector<1x16xf32>,
        %swap3A_191 = vector.shape_cast %swap3A_190 : vector<1x16xf32> to vector<16xf32>
        %swap3A_192 = vector.shape_cast %add3A_187 : vector<16xf32> to vector<1x16xf32>
        tpu.vector_store %arg9[%swap3A_188, %swap3A_189], %swap3A_192 {strides = array<i32>} : memref<128x64xf32, #tpu.memory_space<vmem>>, vector<1x16xf32>,
        %scan3A_193 = arith.constant 2 : i32
        %scan3A_194 = arith.addi %scan3A_111, %scan3A_193 : i32
        %get3A_195 = arith.index_cast %scan3A_194 : i32 to index
        %get3A_196 = arith.constant 0 : index
        %get3A_197 = tpu.vector_load %arg9[%get3A_195, %get3A_196] {strides = array<i32>} : memref<128x64xf32, #tpu.memory_space<vmem>>, vector<1x16xf32>,
        %get3A_198 = vector.shape_cast %get3A_197 : vector<1x16xf32> to vector<16xf32>
        %add3A_199 = arith.addf %get3A_198, %get3A_86 : vector<16xf32>
        %swap3A_200 = arith.index_cast %scan3A_194 : i32 to index
        %swap3A_201 = arith.constant 0 : index
        %swap3A_202 = tpu.vector_load %arg9[%swap3A_200, %swap3A_201] {strides = array<i32>} : memref<128x64xf32, #tpu.memory_space<vmem>>, vector<1x16xf32>,
        %swap3A_203 = vector.shape_cast %swap3A_202 : vector<1x16xf32> to vector<16xf32>
        %swap3A_204 = vector.shape_cast %add3A_199 : vector<16xf32> to vector<1x16xf32>
        tpu.vector_store %arg9[%swap3A_200, %swap3A_201], %swap3A_204 {strides = array<i32>} : memref<128x64xf32, #tpu.memory_space<vmem>>, vector<1x16xf32>,
        %get3A_205 = arith.index_cast %scan3A_194 : i32 to index
        %get3A_206 = arith.constant 16 : index
        %get3A_207 = tpu.vector_load %arg9[%get3A_205, %get3A_206] {strides = array<i32>} : memref<128x64xf32, #tpu.memory_space<vmem>>, vector<1x16xf32>,
        %get3A_208 = vector.shape_cast %get3A_207 : vector<1x16xf32> to vector<16xf32>
        %add3A_209 = arith.addf %get3A_208, %get3A_90 : vector<16xf32>
        %swap3A_210 = arith.index_cast %scan3A_194 : i32 to index
        %swap3A_211 = arith.constant 16 : index
        %swap3A_212 = tpu.vector_load %arg9[%swap3A_210, %swap3A_211] {strides = array<i32>} : memref<128x64xf32, #tpu.memory_space<vmem>>, vector<1x16xf32>,
        %swap3A_213 = vector.shape_cast %swap3A_212 : vector<1x16xf32> to vector<16xf32>
        %swap3A_214 = vector.shape_cast %add3A_209 : vector<16xf32> to vector<1x16xf32>
        tpu.vector_store %arg9[%swap3A_210, %swap3A_211], %swap3A_214 {strides = array<i32>} : memref<128x64xf32, #tpu.memory_space<vmem>>, vector<1x16xf32>,
        %get3A_215 = arith.index_cast %scan3A_194 : i32 to index
        %get3A_216 = arith.constant 32 : index
        %get3A_217 = tpu.vector_load %arg9[%get3A_215, %get3A_216] {strides = array<i32>} : memref<128x64xf32, #tpu.memory_space<vmem>>, vector<1x16xf32>,
        %get3A_218 = vector.shape_cast %get3A_217 : vector<1x16xf32> to vector<16xf32>
        %add3A_219 = arith.addf %get3A_218, %get3A_94 : vector<16xf32>
        %swap3A_220 = arith.index_cast %scan3A_194 : i32 to index
        %swap3A_221 = arith.constant 32 : index
        %swap3A_222 = tpu.vector_load %arg9[%swap3A_220, %swap3A_221] {strides = array<i32>} : memref<128x64xf32, #tpu.memory_space<vmem>>, vector<1x16xf32>,
        %swap3A_223 = vector.shape_cast %swap3A_222 : vector<1x16xf32> to vector<16xf32>
        %swap3A_224 = vector.shape_cast %add3A_219 : vector<16xf32> to vector<1x16xf32>
        tpu.vector_store %arg9[%swap3A_220, %swap3A_221], %swap3A_224 {strides = array<i32>} : memref<128x64xf32, #tpu.memory_space<vmem>>, vector<1x16xf32>,
        %get3A_225 = arith.index_cast %scan3A_194 : i32 to index
        %get3A_226 = arith.constant 48 : index
        %get3A_227 = tpu.vector_load %arg9[%get3A_225, %get3A_226] {strides = array<i32>} : memref<128x64xf32, #tpu.memory_space<vmem>>, vector<1x16xf32>,
        %get3A_228 = vector.shape_cast %get3A_227 : vector<1x16xf32> to vector<16xf32>
        %add3A_229 = arith.addf %get3A_228, %get3A_98 : vector<16xf32>
        %swap3A_230 = arith.index_cast %scan3A_194 : i32 to index
        %swap3A_231 = arith.constant 48 : index
        %swap3A_232 = tpu.vector_load %arg9[%swap3A_230, %swap3A_231] {strides = array<i32>} : memref<128x64xf32, #tpu.memory_space<vmem>>, vector<1x16xf32>,
        %swap3A_233 = vector.shape_cast %swap3A_232 : vector<1x16xf32> to vector<16xf32>
        %swap3A_234 = vector.shape_cast %add3A_229 : vector<16xf32> to vector<1x16xf32>
        tpu.vector_store %arg9[%swap3A_230, %swap3A_231], %swap3A_234 {strides = array<i32>} : memref<128x64xf32, #tpu.memory_space<vmem>>, vector<1x16xf32>,
        %scan3A_235 = arith.constant 3 : i32
        %scan3A_236 = arith.addi %scan3A_111, %scan3A_235 : i32
        %get3A_237 = arith.index_cast %scan3A_236 : i32 to index
        %get3A_238 = arith.constant 0 : index
        %get3A_239 = tpu.vector_load %arg9[%get3A_237, %get3A_238] {strides = array<i32>} : memref<128x64xf32, #tpu.memory_space<vmem>>, vector<1x16xf32>,
        %get3A_240 = vector.shape_cast %get3A_239 : vector<1x16xf32> to vector<16xf32>
        %add3A_241 = arith.addf %get3A_240, %get3A_86 : vector<16xf32>
        %swap3A_242 = arith.index_cast %scan3A_236 : i32 to index
        %swap3A_243 = arith.constant 0 : index
        %swap3A_244 = tpu.vector_load %arg9[%swap3A_242, %swap3A_243] {strides = array<i32>} : memref<128x64xf32, #tpu.memory_space<vmem>>, vector<1x16xf32>,
        %swap3A_245 = vector.shape_cast %swap3A_244 : vector<1x16xf32> to vector<16xf32>
        %swap3A_246 = vector.shape_cast %add3A_241 : vector<16xf32> to vector<1x16xf32>
        tpu.vector_store %arg9[%swap3A_242, %swap3A_243], %swap3A_246 {strides = array<i32>} : memref<128x64xf32, #tpu.memory_space<vmem>>, vector<1x16xf32>,
        %get3A_247 = arith.index_cast %scan3A_236 : i32 to index
        %get3A_248 = arith.constant 16 : index
        %get3A_249 = tpu.vector_load %arg9[%get3A_247, %get3A_248] {strides = array<i32>} : memref<128x64xf32, #tpu.memory_space<vmem>>, vector<1x16xf32>,
        %get3A_250 = vector.shape_cast %get3A_249 : vector<1x16xf32> to vector<16xf32>
        %add3A_251 = arith.addf %get3A_250, %get3A_90 : vector<16xf32>
        %swap3A_252 = arith.index_cast %scan3A_236 : i32 to index
        %swap3A_253 = arith.constant 16 : index
        %swap3A_254 = tpu.vector_load %arg9[%swap3A_252, %swap3A_253] {strides = array<i32>} : memref<128x64xf32, #tpu.memory_space<vmem>>, vector<1x16xf32>,
        %swap3A_255 = vector.shape_cast %swap3A_254 : vector<1x16xf32> to vector<16xf32>
        %swap3A_256 = vector.shape_cast %add3A_251 : vector<16xf32> to vector<1x16xf32>
        tpu.vector_store %arg9[%swap3A_252, %swap3A_253], %swap3A_256 {strides = array<i32>} : memref<128x64xf32, #tpu.memory_space<vmem>>, vector<1x16xf32>,
        %get3A_257 = arith.index_cast %scan3A_236 : i32 to index
        %get3A_258 = arith.constant 32 : index
        %get3A_259 = tpu.vector_load %arg9[%get3A_257, %get3A_258] {strides = array<i32>} : memref<128x64xf32, #tpu.memory_space<vmem>>, vector<1x16xf32>,
        %get3A_260 = vector.shape_cast %get3A_259 : vector<1x16xf32> to vector<16xf32>
        %add3A_261 = arith.addf %get3A_260, %get3A_94 : vector<16xf32>
        %swap3A_262 = arith.index_cast %scan3A_236 : i32 to index
        %swap3A_263 = arith.constant 32 : index
        %swap3A_264 = tpu.vector_load %arg9[%swap3A_262, %swap3A_263] {strides = array<i32>} : memref<128x64xf32, #tpu.memory_space<vmem>>, vector<1x16xf32>,
        %swap3A_265 = vector.shape_cast %swap3A_264 : vector<1x16xf32> to vector<16xf32>
        %swap3A_266 = vector.shape_cast %add3A_261 : vector<16xf32> to vector<1x16xf32>
        tpu.vector_store %arg9[%swap3A_262, %swap3A_263], %swap3A_266 {strides = array<i32>} : memref<128x64xf32, #tpu.memory_space<vmem>>, vector<1x16xf32>,
        %get3A_267 = arith.index_cast %scan3A_236 : i32 to index
        %get3A_268 = arith.constant 48 : index
        %get3A_269 = tpu.vector_load %arg9[%get3A_267, %get3A_268] {strides = array<i32>} : memref<128x64xf32, #tpu.memory_space<vmem>>, vector<1x16xf32>,
        %get3A_270 = vector.shape_cast %get3A_269 : vector<1x16xf32> to vector<16xf32>
        %add3A_271 = arith.addf %get3A_270, %get3A_98 : vector<16xf32>
        %swap3A_272 = arith.index_cast %scan3A_236 : i32 to index
        %swap3A_273 = arith.constant 48 : index
        %swap3A_274 = tpu.vector_load %arg9[%swap3A_272, %swap3A_273] {strides = array<i32>} : memref<128x64xf32, #tpu.memory_space<vmem>>, vector<1x16xf32>,
        %swap3A_275 = vector.shape_cast %swap3A_274 : vector<1x16xf32> to vector<16xf32>
        %swap3A_276 = vector.shape_cast %add3A_271 : vector<16xf32> to vector<1x16xf32>
        tpu.vector_store %arg9[%swap3A_272, %swap3A_273], %swap3A_276 {strides = array<i32>} : memref<128x64xf32, #tpu.memory_space<vmem>>, vector<1x16xf32>,
      }
      %scan3A_104 = arith.constant 128 : i32
      %add3A_105 = arith.addi %mul3A_4, %add3A_28 : i32
      %mul3A_106 = arith.constant 1024 : i32
      %mul3A_107 = arith.muli %add3A_105, %mul3A_106 : i32
      %mul3A_108 = arith.constant 128 : i32
      %mul3A_109 = arith.muli %rem3A_1, %mul3A_108 : i32
      %add3A_110 = arith.addi %mul3A_107, %mul3A_109 : i32
      "tpu.region"() ({
        %run_scoped3A = tpu.sem_alloc : memref<!tpu.dma_semaphore, #tpu.memory_space<semaphore_mem>>
        %dma_start3A_111 = arith.constant 0 : i32
        %dma_start3A_112 = tpu.memref_slice %arg5[%add3A_110, %dma_start3A_111] : memref<204800x64xf32, #tpu.memory_space<hbm>> -> memref<128x64xf32, #tpu.memory_space<hbm>>
        %dma_start3A_113 = arith.constant 0 : i32
        %dma_start3A_114 = tpu.memref_slice %arg5[%add3A_110, %dma_start3A_113] : memref<204800x64xf32, #tpu.memory_space<hbm>> -> memref<128x64xf32, #tpu.memory_space<hbm>>
        tpu.enqueue_dma source(%arg9 : memref<128x64xf32, #tpu.memory_space<vmem>>) target(%dma_start3A_114 : memref<128x64xf32, #tpu.memory_space<hbm>>) target_semaphore(%run_scoped3A : memref<!tpu.dma_semaphore, #tpu.memory_space<semaphore_mem>>)
        %dma_wait3A_115 = arith.constant 0 : i32
        %dma_wait3A_116 = tpu.memref_slice %arg5[%add3A_110, %dma_wait3A_115] : memref<204800x64xf32, #tpu.memory_space<hbm>> -> memref<128x64xf32, #tpu.memory_space<hbm>>
        %dma_wait3A_117 = arith.constant 0 : i32
        %dma_wait3A_118 = tpu.memref_slice %arg5[%add3A_110, %dma_wait3A_117] : memref<204800x64xf32, #tpu.memory_space<hbm>> -> memref<128x64xf32, #tpu.memory_space<hbm>>
        tpu.wait_dma2 semaphore(%run_scoped3A : memref<!tpu.dma_semaphore, #tpu.memory_space<semaphore_mem>>) src(%arg9 : memref<128x64xf32, #tpu.memory_space<vmem>>) dst(%dma_wait3A_118 : memref<128x64xf32, #tpu.memory_space<hbm>>)
        tpu.yield
      }) : () -> ()
    }
    %scan3A_17 = arith.constant 25 : i32
    %dma_wait3A = arith.constant 0 : i32
    %dma_wait3A_18 = arith.constant 0 : i32
    %dma_wait3A_19 = tpu.memref_slice %arg6[%dma_wait3A, %dma_wait3A_18] : memref<50x128xi32, #tpu.memory_space<vmem>> -> memref<1x128xi32, #tpu.memory_space<vmem>>
    %dma_wait3A_20 = tpu.memref_squeeze %dma_wait3A_19 : memref<1x128xi32, #tpu.memory_space<vmem>> -> memref<128xi32, #tpu.memory_space<vmem>>
    %dma_wait3A_21 = arith.constant 0 : i32
    %dma_wait3A_22 = arith.constant 0 : i32
    %dma_wait3A_23 = tpu.memref_slice %arg3[%dma_wait3A_21, %dma_wait3A_22] : memref<1000000x64xf32, #tpu.memory_space<hbm>> -> memref<1000000x64xf32, #tpu.memory_space<hbm>>
    tpu.wait_indirect_dma semaphore(%arg10 : memref<!tpu.dma_semaphore, #tpu.memory_space<semaphore_mem>>) src(%dma_wait3A_23 : memref<1000000x64xf32, #tpu.memory_space<hbm>>) dst(%arg8 : memref<128x64xf32, #tpu.memory_space<vmem>>)
    return
  }
}

</mosaic_0001>

<sc_bundles>
// kernel: kernel.3.cloned.1.call-start
scs
__scs_entry_jumppad:
0x0: {  	(pc) =	sbr.rel $0x88, $3  }
0x1: {  	(tag) =	ssettag $0x0;
	lr =	simm.s32 $0x1  }
0x2: {  	[smem:$0x3F9E] =	sst lr;
	_ =	strace $0xD0000000  }
0x3: {  	_ = 	snop  }
0x4: {  	_ = 	snop  }
0x5: {  	_ = 	snop  }
0x6: {  	_ = 	snop  }
0x7: {  	_ = 	snop  }
__scs_overlays_trampoline_lowered:
0x8: {  	[smem:$0x3FAD] =	sst s0  }
0x9: {  	[smem:$0x3FAE] =	sst s1  }
0xa: {  	[smem:$0x3FAF] =	sst s2  }
0xb: {  	[smem:$0x3FB0] =	sst s3  }
0xc: {  	[smem:$0x3FB1] =	sst s4  }
0xd: {  	[smem:$0x3FB2] =	sst s5  }
0xe: {  	[smem:$0x3FB3] =	sst s6  }
0xf: {  	[smem:$0x3FB4] =	sst s7  }
0x10: {  	[smem:$0x3FB5] =	sst s8  }
0x11: {  	[smem:$0x3FB6] =	sst s9;
	s0 =	simm.s32 @!p0 $0x0  }
0x12: {  	s1 =	sld [smem:$0x3F9C];
	s0 =	simm.s32 @p0 $0x1  }
0x13: {  	[smem:$0x3FB7] =	sst s0;
	s0 =	simm.s32 @!p1 $0x0  }
0x14: {  	s2 =	sld [smem:$0x3F9B];
	s0 =	simm.s32 @p1 $0x1  }
0x15: {  	[smem:$0x3FB8] =	sst s0;
	s0 =	simm.s32 @!p2 $0x0  }
0x16: {  	s3 =	sld [smem:$0x3FDB];
	s0 =	simm.s32 @p2 $0x1  }
0x17: {  	s4 =	simm.s32 $0x1BF5;
	[smem:$0x3FBA] =	sst s0  }
0x18: {  	s0 =	sld [smem:$0x3F9D];
	_ =	swait.ge [sflag:s4], $0x0  }
0x19: {  	s7 =	sld [smem:$0x3F9E]  }
0x1a: {  	s8 =	sadd.s32 $0xFFFFE003, lr  }
0x1b: {  	s9 =	sadd.s32 $0xFFFFFEF7, lr;
	s5 =	simm.s32 $0xFFFFFFFF;
	p2 =	slt.u32 s8, $0xFFFFF086  }
0x1c: {  	p1 =	slt.u32 s9, $0xF7A;
	s5 =	simm.s32 @!p2 $0x0  }
0x1d: {  	s5 =	simm.s32 @p1 $0x1;
	p0 =	seq.s32 s7, s2  }
0x1e: {  	s7 =	smul.u32 @!p0 $0xF7A, s2;
	p2 =	seq.s32 @!p0 s5, $0x0  }
0x1f: {  	s9 =	smul.u32 $0xF7A, s1;
	s8 =	simm.s32 @!p0 $0x1BF5;
	p2 =	por !p2, p0  }
0x20: {  	[sflag:s8] =	ssyncset.s32 @!p0 $0xFFFFF086;
	s6 =	sadd.s32 @!p0 s3, s7;
	s7 =	simm.s32 @!p0 $0x108  }
0x21: {  	s3 =	sadd.s32 s3, s9;
	s6 =	sadd.s32 @!p0 $0x88, s6;
	s7 =	simm.s32 @p2 $0x1082  }
0x22: {  	[simem:s7], [sflag:s8] =	dma.local @!p0 [hbm:s6], $0xF7A  }
0x23: {  	s9 =	sor.u32 $0xD0000000, s2;
	s6 =	simm.s32 $0x108;
	_ =	swait.ge @!p0 [sflag:s8], $0x0  }
0x24: {  	s3 =	sadd.s32 $0x88, s3;
	s6 =	simm.s32 @!p1 $0x1082;
	[sflag:s4] =	ssyncset.s32 $0xFFFFF086  }
0x25: {  	[simem:s6], [sflag:s4] =	dma.local [hbm:s3], $0xF7A  }
0x26: {  	[smem:$0x3F9E] =	sst s1;
	(tag) =	ssettag s2;
	_ =	strace s9  }
0x27: {  	s1 =	sld [smem:$0x3FAE]  }
0x28: {  	s2 =	sld [smem:$0x3FAF]  }
0x29: {  	s4 =	sld [smem:$0x3FB1]  }
0x2a: {  	p0 =	seq.s32 s5, $0x0;
	s5 =	sld [smem:$0x3FB2]  }
0x2b: {  	s6 =	sld [smem:$0x3FB3]  }
0x2c: {  	s7 =	sld [smem:$0x3FB4]  }
0x2d: {  	s3 =	simm.s32 $0x108;
	s8 =	sld [smem:$0x3FB5]  }
0x2e: {  	s3 =	simm.s32 @!p0 $0x1082;
	s9 =	sld [smem:$0x3FB6]  }
0x2f: {  	lr =	sadd.s32 s0, s3;
	s0 =	sld [smem:$0x3FAD]  }
0x30: {  	s3 =	sld [smem:$0x3FB0]  }
0x31: {  	[smem:$0x3FB9] =	sst s10  }
0x32: {  	s10 =	sld [smem:$0x3FB7];
	_ =	sdelay $0x3  }
0x33: {  	p0 =	seq.s32 s10, $0x1;
	s10 =	sld [smem:$0x3FB9];
	_ =	sdelay $0x3  }
0x34: {  	[smem:$0x3FB9] =	sst s10  }
0x35: {  	s10 =	sld [smem:$0x3FB8];
	_ =	sdelay $0x3  }
0x36: {  	p1 =	seq.s32 s10, $0x1;
	s10 =	sld [smem:$0x3FB9];
	_ =	sdelay $0x3  }
0x37: {  	[smem:$0x3FB9] =	sst s10  }
0x38: {  	s10 =	sld [smem:$0x3FBA]  }
0x39: {  	_ = 	snop;
	(pc) =	sbr.ind lr, $3  }
0x3a: {  	_ = 	snop  }
0x3b: {  	_ = 	snop  }
0x3c: {  	p2 =	seq.s32 s10, $0x1;
	s10 =	sld [smem:$0x3FB9]  }
0x3d: {  	_ =	shalt  }
0x3e: {  	_ =	shalt  }
0x3f: {  	_ =	shalt  }
0x40: {  	_ =	shalt  }
0x41: {  	_ =	shalt  }
0x42: {  	_ =	shalt  }
0x43: {  	_ =	shalt  }
0x44: {  	_ =	shalt  }
0x45: {  	_ =	shalt  }
0x46: {  	_ =	shalt  }
0x47: {  	_ =	shalt  }
0x48: {  	_ =	shalt  }
0x49: {  	_ =	shalt  }
0x4a: {  	_ =	shalt  }
0x4b: {  	_ =	shalt  }
0x4c: {  	_ =	shalt  }
0x4d: {  	_ =	shalt  }
0x4e: {  	_ =	shalt  }
0x4f: {  	_ =	shalt  }
0x50: {  	_ =	shalt  }
0x51: {  	_ =	shalt  }
0x52: {  	_ =	shalt  }
0x53: {  	_ =	shalt  }
0x54: {  	_ =	shalt  }
0x55: {  	_ =	shalt  }
0x56: {  	_ =	shalt  }
0x57: {  	_ =	shalt  }
0x58: {  	_ =	shalt  }
0x59: {  	_ =	shalt  }
0x5a: {  	_ =	shalt  }
0x5b: {  	_ =	shalt  }
0x5c: {  	_ =	shalt  }
0x5d: {  	_ =	shalt  }
0x5e: {  	_ =	shalt  }
0x5f: {  	_ =	shalt  }
0x60: {  	_ =	shalt  }
0x61: {  	_ =	shalt  }
0x62: {  	_ =	shalt  }
0x63: {  	_ =	shalt  }
0x64: {  	_ =	shalt  }
0x65: {  	_ =	shalt  }
0x66: {  	_ =	shalt  }
0x67: {  	_ =	shalt  }
0x68: {  	_ =	shalt  }
0x69: {  	_ =	shalt  }
0x6a: {  	_ =	shalt  }
0x6b: {  	_ =	shalt  }
0x6c: {  	_ =	shalt  }
0x6d: {  	_ =	shalt  }
0x6e: {  	_ =	shalt  }
0x6f: {  	_ =	shalt  }
0x70: {  	_ =	shalt  }
0x71: {  	_ =	shalt  }
0x72: {  	_ =	shalt  }
0x73: {  	_ =	shalt  }
0x74: {  	_ =	shalt  }
0x75: {  	_ =	shalt  }
0x76: {  	_ =	shalt  }
0x77: {  	_ =	shalt  }
0x78: {  	_ =	shalt  }
0x79: {  	_ =	shalt  }
0x7a: {  	_ =	shalt  }
0x7b: {  	_ =	shalt  }
0x7c: {  	_ =	shalt  }
0x7d: {  	_ =	shalt  }
0x7e: {  	_ =	shalt  }
0x7f: {  	_ =	shalt  }
0x80: {  	_ =	shalt  }
0x81: {  	_ =	shalt  }
0x82: {  	_ =	shalt  }
0x83: {  	_ =	shalt  }
0x84: {  	_ =	shalt  }
0x85: {  	_ =	shalt  }
0x86: {  	_ =	shalt  }
0x87: {  	_ =	shalt  }
.Lfunc_end0:
.L_simem_size_0:
called_computation.1_lowered:
.L_overlay_start_0:
0x88: {  	s2 =	sld [smem:$0x3FD9]  }
0x89: {  	s3 =	sld [smem:$0x3FFE];
	_ =	sdelay $0x1  }
0x8a: {  	s1 =	srdreg.scid  }
0x8b: {  	s0 =	sand.u32 $0x1, s1  }
0x8c: {  	s17 =	sshll.u32 s0, $0xA;
	s2 =	sadd.s32 s3, s2  }
0x8d: {  	s2 =	sadd.s32 s2, s17  }
0x8e: {  	[smem:$0x3FC5] =	sst s2  }
0x8f: {  	_ = 	snop  }
0x90: {  	s2 =	sld [smem:$0x3FD0];
	(tm) =	ssettm $0x1  }
0x91: {  	s18 =	sld [smem:$0x3FFB];
	_ =	sdelay $0x3  }
0x92: {  	_ =	strace s18  }
0x93: {  	s3 =	sld [smem:$0x3FFC];
	_ =	sdelay $0x3  }
0x94: {  	_ =	strace s3  }
0x95: {  	s3 =	sld [smem:$0x3FFD];
	_ =	sdelay $0x3  }
0x96: {  	_ =	strace s3  }
0x97: {  	_ =	strace $0x8FFFFFFF  }
0x98: {  	s19 =	sld [smem:$0x3FDB];
	_ =	sdelay $0x1  }
0x99: {  	s4 =	simm.s32 $_scs_section_size  }
0x9a: {  	s5 =	simm.s32 $_size__tile_overlayer_lowered;
	s6 =	simm.s32 $_tile_overlayer_lowered  }
0x9b: {  	s22 =	simm.s32 $0x1BFF;
	s21 =	sshll.u32 s6, $0x1;
	s3 =	sadd.s32 s4, s19  }
0x9c: {  	s7 =	simm.s32 $0x0;
	s20 =	sshll.u32 s5, $0x1;
	s5 =	sadd.s32 s21, s3  }
0x9d: {  	[timem:s7], [sflag:s22] =	dma.local [hbm:s5], s20  }
0x9e: {  	_ =	swait.ge [sflag:s22], s20  }
0x9f: {  	s4 =	ssub.s32 $0x0, s20;
	[sflag:s22] =	ssyncset.done $0x0  }
0xa0: {  	[sflag:s22] =	ssyncadd.s32 s4;
	_ =	sdelay $0x1  }
0xa1: {  	s23 =	simm.s32 $0x1B8B  }
0xa2: {  	_ =	swait.ge [sflag:s23], $0x1  }
0xa3: {  	[sflag:s23] =	ssyncset.done $0x0  }
0xa4: {  	s25 =	simm.s32 $0x1B8E;
	s24 =	sld [smem:$0x3FFE];
	[sflag:s23] =	ssyncadd.s32 $0xFFFFFFFF  }
0xa5: {  	s26 =	simm.s32 $execute0_lowered;
	[smem:$0x3FD2] =	sst s25  }
0xa6: {  	s5 =	sshll.u32 s26, $0x1;
	_ =	strace $0x80000046;
	[dreg:$0x1] =	wrdreg $0xFFFFFFFF  }
0xa7: {  	s28 =	simm.s32 $_size_execute0_lowered;
	s3 =	sadd.s32 s3, s5;
	[dreg:$0x0] =	wrdreg $0x0  }
0xa8: {  	s5 =	sshll.u32 s28, $0x1;
	[dreg:$0x2] =	wrdreg s3  }
0xa9: {  	[dreg:$0x3] =	wrdreg s5  }
0xaa: {  	[dreg:$0x4] =	wrdreg $0xC0  }
0xab: {  	_ =	task [dreg:s7], $0x5FFFF  }
0xac: {  	[dreg:$0x1] =	wrdreg $0xFFFFFFFF  }
0xad: {  	[dreg:$0x0] =	wrdreg $0x60  }
0xae: {  	[dreg:$0x2] =	wrdreg s24  }
0xaf: {  	[dreg:$0x3] =	wrdreg s2  }
0xb0: {  	[dreg:$0x4] =	wrdreg $0x9  }
0xb1: {  	_ =	task.clear_ibuf [dreg:s7], $0x5FFFF;
	_ =	strace $0x90000046  }
0xb2: {  	s29 =	simm.s32 $0x9;
	_ =	strace $0x80000048  }
0xb3: {  	_ =	swait.ge [sflag:s29], $0x1  }
0xb4: {  	[sflag:s29] =	ssyncadd.s32 $0xFFFFFFFF  }
0xb5: {  	_ =	strace $0x90000048  }
0xb6: {  	_ =	sfence  }
0xb7: {  	s30 =	sld [smem:$0x0];
	_ =	sdelay $0x2  }
0xb8: {  	s31 =	sshll.u32 s1, $0xD;
	s1 =	sshrl.u32 s1, $0x2  }
0xb9: {  	s3 =	sand.u32 $0x4000, s31;
	s1 =	sadd.s32 s1, s30  }
0xba: {  	s0 =	sor.u32 s3, s0;
	s1 =	sshll.u32 s1, $0x11  }
0xbb: {  	s0 =	sor.u32 s1, s0  }
0xbc: {  	s0 =	sadd.s32 $0x8F2B, s0  }
0xbd: {  	[sflag:s0] =	ssyncadd.remote.s32 $0x1  }
0xbe: {  	_ =	sfence.sel $0xFFFF  }
0xbf: {  	[dreg:$0x0] =	wrdreg $0xFFFFFFFF;
	(pc) =	sbr.abs _section_cstart, $3  }
0xc0: {  	[dreg:$0x1] =	wrdreg $0xFFFFFFFF  }
0xc1: {  	_ =	task.clear_ibuf [dreg:s7], $0x2FFFF;
	_ =	strace $0x9FFFFFFF  }
0xc2: {  	(tm) =	ssettm $0x7FFFFFFF  }
0xc3: {  	_ =	shalt  }
tec
execute0_lowered:
.L_overlay_start_1:
0x0: {  	(tag) =	ssettag $0x1  }
0x1: {  	s0 =	stileid.u32  }
0x2: {  	s4 =	rddreg [dreg:$0x0];
	s1 =	srdreg.scid  }
0x3: {  	s7 =	rddreg [dreg:$0x1];
	s12 =	simm.s32 $0x1900;
	s13 =	simm.s32 $0x2580  }
0x4: {  	s14 =	simm.s32 $0x4580;
	s15 =	simm.s32 $0x1;
	s16 =	simm.s32 $0x2  }
0x5: {  	s17 =	simm.s32 $0x0;
	s2 =	sshll.u32 s0, $0x1;
	s5 =	sshrl.u32 s0, $0x2  }
0x6: {  	s3 =	sand.u32 $0x1, s1;
	s1 =	rddreg [dreg:$0x2];
	s8 =	smul.u32 $0xC800, s5  }
0x7: {  	s29 =	sand.u32 $0x6, s2;
	s2 =	simm.s32 $0x0;
	s30 =	smul.u32 $0x190, s5  }
0x8: {  	s10 =	ssub.s32 $0x2, s3;
	s6 =	sor.u32 s3, s29;
	[smem:$0x7FF] =	sst s2  }
0x9: {  	s11 =	sshrl.u32 s10, $0x1;
	s3 =	sadd.s32 $0xF43000, s4;
	s9 =	sshll.u32 s6, $0x7  }
0xa: {  	_ =	strace $0x80000047;
	s10 =	ssub.s32 s10, s11;
	s31 =	sshll.u32 s6, $0xA  }
0xb: {  	s11 =	simm.s32 $0x3;
	s8 =	sor.u32 s8, s9;
	s9 =	sadd.s32 s30, s4  }
0xc: {  	s7 =	sadd.s32 s7, s31;
	s8 =	sshrl.u32 s8, $0x3;
	s6 =	sadd.s32 $0xC00, s9  }
0xd: {  	s9 =	simm.s32 $0x80;
	s8 =	sadd.s32 s8, s4;
	s4 =	smul.u32 $0x32, s5  }
0xe: {  	s5 =	sadd.s32 $0x4C00, s8;
	s8 =	smax.u32 s10, $0x1;
	s10 =	simm.s32 $0x400  }
.LBB2_1:
0xf: {  	[tilespmem:s2], [sflag:$0x3] =	stream.strided.gather [hbm4b:s5+s9], $0x1900, s10, s9, $0x38;
	[tilespmem:$0x6580] =	vst v63  }
0x10: {  	_ =	swait.ge [sflag:s11], $0x1900  }
0x11: {  	[sflag:s11] =	ssyncset.done $0x0  }
0x12: {  	[sflag:s11] =	ssyncadd.s32 $0xFFFFE700  }
0x13: {  	[tilespmem:s12], [sflag:$0x3] =	stream.linear.gather [hbm4b:s6+s2], $0xC80, $0x38;
	[tilespmem:$0x6580] =	vst v63  }
0x14: {  	_ =	swait.ge [sflag:s11], $0xC80  }
0x15: {  	[sflag:s11] =	ssyncset.done $0x0  }
0x16: {  	s18 =	simm.s32 $0x0;
	[sflag:s11] =	ssyncadd.s32 $0xFFFFF380  }
0x17: {  	[tilespmem:s13], [sflag:$0x1] =	stream.indirect.gather [hbm4b:s3+s9], $0x40, s2, s9, $0xb8;
	[tilespmem:$0x6580] =	vst v63  }
.LBB2_2:
0x18: {  	s19 =	sshllo.u32 s18, $0x1  }
0x19: {  	s20 =	sshll.u32 s19, $0x7  }
0x1a: {  	s20 =	sand.u32 $0x3FFFFF80, s20  }
0x1b: {  	[tilespmem:s14], [sflag:$0x2] =	stream.indirect.gather [hbm4b:s3+s9], $0x40, s20, s9, $0xb8;
	[tilespmem:$0x6580] =	vst v63  }
0x1c: {  	_ =	swait.ge [sflag:s15], $0x2000  }
0x1d: {  	s31 =	sshll.u32 s18, $0x7;
	[sflag:s15] =	ssyncset.done $0x0  }
0x1e: {  	s20 =	sand.u32 $0x3FFFFF80, s31;
	[sflag:s15] =	ssyncadd.s32 $0xFFFFE000  }
0x1f: {  	v3 =	vld [tilespmem:s20+$0x1900]  }
0x20: {  	v2 =	vld [tilespmem:s20+$0x1910]  }
0x21: {  	v1 =	vld [tilespmem:s20+$0x1920]  }
0x22: {  	v0 =	vld [tilespmem:s20+$0x1930];
	s20 =	simm.s32 $0x2600  }
0x23: {  	v4 =	vld [tilespmem:s20+$0xFFFFFF80]  }
0x24: {  	v5 =	vld [tilespmem:s20+$0xFFFFFF90]  }
0x25: {  	v6 =	vld [tilespmem:s20+$0xFFFFFFA0]  }
0x26: {  	v7 =	vld [tilespmem:s20+$0xFFFFFFB0]  }
0x27: {  	v8 =	vld [tilespmem:s20+$0xFFFFFFC0]  }
0x28: {  	v9 =	vld [tilespmem:s20+$0xFFFFFFD0];
	v4 =	vadd.f32 v4, v3  }
0x29: {  	v10 =	vld [tilespmem:s20+$0xFFFFFFE0];
	v5 =	vadd.f32 v5, v2  }
0x2a: {  	[tilespmem:s20+$0xFFFFFF80] =	vst v4;
	v4 =	vadd.f32 v6, v1;
	v6 =	vld [tilespmem:s20+$0x0]  }
0x2b: {  	[tilespmem:s20+$0xFFFFFF90] =	vst v5;
	v5 =	vadd.f32 v7, v0;
	v7 =	vld [tilespmem:s20+$0x10]  }
0x2c: {  	[tilespmem:s20+$0xFFFFFFA0] =	vst v4;
	v4 =	vadd.f32 v8, v3;
	v8 =	vld [tilespmem:s20+$0x20]  }
0x2d: {  	v11 =	vld [tilespmem:s20+$0x30];
	[tilespmem:s20+$0xFFFFFFB0] =	vst v5;
	v5 =	vadd.f32 v9, v2  }
0x2e: {  	v9 =	vadd.f32 v10, v1;
	[tilespmem:s20+$0xFFFFFFC0] =	vst v4;
	v4 =	vld [tilespmem:s20+$0x40]  }
0x2f: {  	[tilespmem:s20+$0xFFFFFFD0] =	vst v5;
	v5 =	vld [tilespmem:s20+$0x50];
	v6 =	vadd.f32 v6, v3  }
0x30: {  	[tilespmem:s20+$0xFFFFFFE0] =	vst v9;
	v10 =	vadd.f32 v7, v2;
	v7 =	vld [tilespmem:s20+$0x60]  }
0x31: {  	[tilespmem:s20+$0x0] =	vst v6;
	v9 =	vadd.f32 v8, v1;
	v8 =	vld [tilespmem:s20+$0x70]  }
0x32: {  	s21 =	sshll.u32 s18, $0x1;
	s22 =	simm.s32 $0x0;
	s23 =	simm.s32 $0x2700;
	v6 =	vld [tilespmem:s20+$0xFFFFFFF0];
	[tilespmem:s20+$0x10] =	vst v10;
	v10 =	vadd.f32 v11, v0  }
.LBB2_3:
0x33: {  	v11 =	vld [tilespmem:s23+$0xFFFFFF80];
	[tilespmem:s20+$0x20] =	vst v9;
	v4 =	vadd.f32 v4, v3  }
0x34: {  	v9 =	vld [tilespmem:s23+$0xFFFFFF90];
	[tilespmem:s20+$0x30] =	vst v10;
	v5 =	vadd.f32 v5, v2  }
0x35: {  	v10 =	vld [tilespmem:s23+$0xFFFFFFA0];
	[tilespmem:s20+$0x40] =	vst v4;
	v4 =	vadd.f32 v7, v1  }
0x36: {  	v7 =	vld [tilespmem:s23+$0xFFFFFFB0];
	[tilespmem:s20+$0x50] =	vst v5;
	v5 =	vadd.f32 v8, v0  }
0x37: {  	v8 =	vld [tilespmem:s23+$0xFFFFFFC0];
	v6 =	vadd.f32 v6, v0;
	[tilespmem:s20+$0x60] =	vst v4  }
0x38: {  	v4 =	vadd.f32 v11, v3;
	v11 =	vld [tilespmem:s23+$0xFFFFFFD0];
	[tilespmem:s20+$0x70] =	vst v5  }
0x39: {  	v5 =	vadd.f32 v9, v2;
	v9 =	vld [tilespmem:s23+$0xFFFFFFE0];
	[tilespmem:s20+$0xFFFFFFF0] =	vst v6;
	s20 =	smov.u32 s23  }
0x3a: {  	[tilespmem:s23+$0xFFFFFF80] =	vst v4;
	v4 =	vadd.f32 v10, v1;
	v6 =	vld [tilespmem:s23+$0x0]  }
0x3b: {  	[tilespmem:s23+$0xFFFFFF90] =	vst v5;
	v5 =	vadd.f32 v7, v0;
	v7 =	vld [tilespmem:s23+$0x10]  }
0x3c: {  	s22 =	sadd.s32 $0x4, s22;
	[tilespmem:s23+$0xFFFFFFA0] =	vst v4;
	v4 =	vadd.f32 v8, v3;
	v8 =	vld [tilespmem:s23+$0x20]  }
0x3d: {  	p0 =	slt.u32 s22, $0x7C;
	[tilespmem:s23+$0xFFFFFFB0] =	vst v5;
	v5 =	vadd.f32 v11, v2;
	v10 =	vld [tilespmem:s23+$0x30]  }
.Ltmp0:
0x3e: {  	[tilespmem:s23+$0xFFFFFFC0] =	vst v4;
	v9 =	vadd.f32 v9, v1;
	v4 =	vld [tilespmem:s23+$0x40];
	(pc) =	sbr.rel @p0 .LBB2_3-.Ltmp0, $4  }
0x3f: {  	[tilespmem:s23+$0xFFFFFFD0] =	vst v5;
	v6 =	vadd.f32 v6, v3;
	v5 =	vld [tilespmem:s23+$0x50]  }
0x40: {  	[tilespmem:s23+$0xFFFFFFE0] =	vst v9;
	v11 =	vadd.f32 v7, v2;
	v7 =	vld [tilespmem:s23+$0x60]  }
0x41: {  	[tilespmem:s23+$0x0] =	vst v6;
	v9 =	vadd.f32 v8, v1;
	v8 =	vld [tilespmem:s23+$0x70]  }
0x42: {  	s23 =	sadd.s32 $0x100, s23;
	v6 =	vld [tilespmem:s20+$0xFFFFFFF0];
	[tilespmem:s20+$0x10] =	vst v11;
	v10 =	vadd.f32 v10, v0  }
0x43: {  	[tilespmem:s20+$0x20] =	vst v9;
	v3 =	vadd.f32 v4, v3  }
0x44: {  	[tilespmem:s20+$0x30] =	vst v10;
	v2 =	vadd.f32 v5, v2  }
0x45: {  	[tilespmem:s20+$0x40] =	vst v3;
	v1 =	vadd.f32 v7, v1  }
0x46: {  	[tilespmem:s20+$0x50] =	vst v2;
	v2 =	vadd.f32 v8, v0  }
0x47: {  	s22 =	sadd.s32 s4, s21;
	v0 =	vadd.f32 v6, v0;
	[tilespmem:s20+$0x60] =	vst v1  }
0x48: {  	s22 =	sshll.u32 s22, $0xD;
	[tilespmem:s20+$0x70] =	vst v2  }
0x49: {  	s29 =	sadd.s32 s22, s7;
	[tilespmem:s20+$0xFFFFFFF0] =	vst v0  }
0x4a: {  	[hbm4b:s29+s2] =	stream.linear.scatter [tilespmem:s13], [sflag:$0x3], $0x2000, $0x38;
	[tilespmem:$0x6580] =	vst v63  }
0x4b: {  	s30 =	smin.u32 s21, $0x2F;
	_ =	swait.ge [sflag:s11], $0x2000  }
0x4c: {  	s20 =	sshll.u32 s30, $0x7;
	[sflag:s11] =	ssyncset.done $0x0  }
0x4d: {  	s20 =	sadd.s32 $0x100, s20;
	[sflag:s11] =	ssyncadd.s32 $0xFFFFE000  }
0x4e: {  	[tilespmem:s13], [sflag:$0x1] =	stream.indirect.gather [hbm4b:s3+s9], $0x40, s20, s9, $0xb8;
	[tilespmem:$0x6580] =	vst v63  }
0x4f: {  	_ =	swait.ge [sflag:s16], $0x2000  }
0x50: {  	s31 =	sshll.u32 s19, $0x6;
	[sflag:s16] =	ssyncset.done $0x0  }
0x51: {  	s20 =	sand.u32 $0x3FFFFFC0, s31;
	[sflag:s16] =	ssyncadd.s32 $0xFFFFE000  }
0x52: {  	v3 =	vld [tilespmem:s20+$0x1900]  }
0x53: {  	v2 =	vld [tilespmem:s20+$0x1910]  }
0x54: {  	v1 =	vld [tilespmem:s20+$0x1920]  }
0x55: {  	v0 =	vld [tilespmem:s20+$0x1930];
	s20 =	simm.s32 $0x4600  }
0x56: {  	v4 =	vld [tilespmem:s20+$0xFFFFFF80]  }
0x57: {  	v5 =	vld [tilespmem:s20+$0xFFFFFF90]  }
0x58: {  	v6 =	vld [tilespmem:s20+$0xFFFFFFA0]  }
0x59: {  	v7 =	vld [tilespmem:s20+$0xFFFFFFB0]  }
0x5a: {  	v8 =	vld [tilespmem:s20+$0xFFFFFFC0]  }
0x5b: {  	v9 =	vld [tilespmem:s20+$0xFFFFFFD0];
	v4 =	vadd.f32 v4, v3  }
0x5c: {  	v10 =	vld [tilespmem:s20+$0xFFFFFFE0];
	v5 =	vadd.f32 v5, v2  }
0x5d: {  	[tilespmem:s20+$0xFFFFFF80] =	vst v4;
	v4 =	vadd.f32 v6, v1;
	v6 =	vld [tilespmem:s20+$0x0]  }
0x5e: {  	[tilespmem:s20+$0xFFFFFF90] =	vst v5;
	v5 =	vadd.f32 v7, v0;
	v7 =	vld [tilespmem:s20+$0x10]  }
0x5f: {  	[tilespmem:s20+$0xFFFFFFA0] =	vst v4;
	v4 =	vadd.f32 v8, v3;
	v8 =	vld [tilespmem:s20+$0x20]  }
0x60: {  	v11 =	vld [tilespmem:s20+$0x30];
	[tilespmem:s20+$0xFFFFFFB0] =	vst v5;
	v5 =	vadd.f32 v9, v2  }
0x61: {  	v9 =	vadd.f32 v10, v1;
	[tilespmem:s20+$0xFFFFFFC0] =	vst v4;
	v4 =	vld [tilespmem:s20+$0x40]  }
0x62: {  	[tilespmem:s20+$0xFFFFFFD0] =	vst v5;
	v5 =	vld [tilespmem:s20+$0x50];
	v6 =	vadd.f32 v6, v3  }
0x63: {  	[tilespmem:s20+$0xFFFFFFE0] =	vst v9;
	v10 =	vadd.f32 v7, v2;
	v7 =	vld [tilespmem:s20+$0x60]  }
0x64: {  	[tilespmem:s20+$0x0] =	vst v6;
	v9 =	vadd.f32 v8, v1;
	v8 =	vld [tilespmem:s20+$0x70]  }
0x65: {  	s21 =	simm.s32 $0x0;
	s22 =	simm.s32 $0x4700;
	v6 =	vld [tilespmem:s20+$0xFFFFFFF0];
	[tilespmem:s20+$0x10] =	vst v10;
	v10 =	vadd.f32 v11, v0  }
.LBB2_5:
0x66: {  	v11 =	vld [tilespmem:s22+$0xFFFFFF80];
	[tilespmem:s20+$0x20] =	vst v9;
	v4 =	vadd.f32 v4, v3  }
0x67: {  	v9 =	vld [tilespmem:s22+$0xFFFFFF90];
	[tilespmem:s20+$0x30] =	vst v10;
	v5 =	vadd.f32 v5, v2  }
0x68: {  	v10 =	vld [tilespmem:s22+$0xFFFFFFA0];
	[tilespmem:s20+$0x40] =	vst v4;
	v4 =	vadd.f32 v7, v1  }
0x69: {  	v7 =	vld [tilespmem:s22+$0xFFFFFFB0];
	[tilespmem:s20+$0x50] =	vst v5;
	v5 =	vadd.f32 v8, v0  }
0x6a: {  	v8 =	vld [tilespmem:s22+$0xFFFFFFC0];
	v6 =	vadd.f32 v6, v0;
	[tilespmem:s20+$0x60] =	vst v4  }
0x6b: {  	v4 =	vadd.f32 v11, v3;
	v11 =	vld [tilespmem:s22+$0xFFFFFFD0];
	[tilespmem:s20+$0x70] =	vst v5  }
0x6c: {  	v5 =	vadd.f32 v9, v2;
	v9 =	vld [tilespmem:s22+$0xFFFFFFE0];
	[tilespmem:s20+$0xFFFFFFF0] =	vst v6;
	s20 =	smov.u32 s22  }
0x6d: {  	[tilespmem:s22+$0xFFFFFF80] =	vst v4;
	v4 =	vadd.f32 v10, v1;
	v6 =	vld [tilespmem:s22+$0x0]  }
0x6e: {  	[tilespmem:s22+$0xFFFFFF90] =	vst v5;
	v5 =	vadd.f32 v7, v0;
	v7 =	vld [tilespmem:s22+$0x10]  }
0x6f: {  	s21 =	sadd.s32 $0x4, s21;
	[tilespmem:s22+$0xFFFFFFA0] =	vst v4;
	v4 =	vadd.f32 v8, v3;
	v8 =	vld [tilespmem:s22+$0x20]  }
0x70: {  	p0 =	slt.u32 s21, $0x7C;
	[tilespmem:s22+$0xFFFFFFB0] =	vst v5;
	v5 =	vadd.f32 v11, v2;
	v10 =	vld [tilespmem:s22+$0x30]  }
.Ltmp1:
0x71: {  	[tilespmem:s22+$0xFFFFFFC0] =	vst v4;
	v9 =	vadd.f32 v9, v1;
	v4 =	vld [tilespmem:s22+$0x40];
	(pc) =	sbr.rel @p0 .LBB2_5-.Ltmp1, $4  }
0x72: {  	[tilespmem:s22+$0xFFFFFFD0] =	vst v5;
	v6 =	vadd.f32 v6, v3;
	v5 =	vld [tilespmem:s22+$0x50]  }
0x73: {  	[tilespmem:s22+$0xFFFFFFE0] =	vst v9;
	v11 =	vadd.f32 v7, v2;
	v7 =	vld [tilespmem:s22+$0x60]  }
0x74: {  	[tilespmem:s22+$0x0] =	vst v6;
	v9 =	vadd.f32 v8, v1;
	v8 =	vld [tilespmem:s22+$0x70]  }
0x75: {  	s22 =	sadd.s32 $0x100, s22;
	v6 =	vld [tilespmem:s20+$0xFFFFFFF0];
	[tilespmem:s20+$0x10] =	vst v11;
	v10 =	vadd.f32 v10, v0  }
0x76: {  	[tilespmem:s20+$0x20] =	vst v9;
	v3 =	vadd.f32 v4, v3  }
0x77: {  	[tilespmem:s20+$0x30] =	vst v10;
	v2 =	vadd.f32 v5, v2  }
0x78: {  	[tilespmem:s20+$0x40] =	vst v3;
	v1 =	vadd.f32 v7, v1  }
0x79: {  	[tilespmem:s20+$0x50] =	vst v2;
	v62 =	vadd.f32 v8, v0  }
0x7a: {  	s19 =	sadd.s32 s4, s19;
	s18 =	sadd.s32 $0x1, s18;
	v63 =	vadd.f32 v6, v0;
	[tilespmem:s20+$0x60] =	vst v1  }
0x7b: {  	s19 =	sshll.u32 s19, $0xD;
	p0 =	sne.s32 s18, $0x19;
	[tilespmem:s20+$0x70] =	vst v62  }
.Ltmp2:
0x7c: {  	s19 =	sadd.s32 s19, s7;
	[tilespmem:s20+$0xFFFFFFF0] =	vst v63;
	(pc) =	sbr.rel @p0 .LBB2_2-.Ltmp2, $4  }
0x7d: {  	[hbm4b:s19+s2] =	stream.linear.scatter [tilespmem:s14], [sflag:$0x3], $0x2000, $0x38;
	[tilespmem:$0x6580] =	vst v63  }
0x7e: {  	_ =	swait.ge [sflag:s11], $0x2000  }
0x7f: {  	[sflag:s11] =	ssyncset.done $0x0  }
0x80: {  	[sflag:s11] =	ssyncadd.s32 $0xFFFFE000  }
0x81: {  	s17 =	sadd.s32 $0x1, s17  }
0x82: {  	p0 =	sne.s32 s17, s8  }
.Ltmp3:
0x83: {  	_ = 	snop;
	(pc) =	sbr.rel @p0 .LBB2_1-.Ltmp3, $4  }
0x84: {  	_ = 	snop  }
0x85: {  	_ =	swait.ge [sflag:s15], $0x2000  }
0x86: {  	[sflag:s15] =	ssyncset.done $0x0  }
0x87: {  	[sflag:s15] =	ssyncadd.s32 $0xFFFFE000  }
0x88: {  	_ =	sfence.sel $0x180000  }
0x89: {  	[bflag:$0x0] =	sbarrier.arrive $0xFFFF  }
0x8a: {  	p0 =	sne.s32 s0, $0x0;
	_ =	strace $0x90000047  }
0x8b: {  	s0 =	sadd.s32 @!p0 $0x100000, s1;
	[bflag:$0x2] =	sbarrier.arrive $0xFFFF  }
0x8c: {  	[sflag:s0] =	ssyncadd.tile.s32 @!p0 $0x1;
	_ =	shalt  }
.Lfunc_end2:
_tile_overlayer_lowered:
.L_overlay_start_2:
0x8d: {  	(tag) =	ssettag $0x2  }
0x8e: {  	s0 =	rddreg [dreg:$0x0];
	s2 =	stileid.u32  }
0x8f: {  	s1 =	rddreg [dreg:$0x1];
	p0 =	sne.s32 s2, $0x0  }
0x90: {  	s3 =	rddreg [dreg:$0x2];
	[bflag:$0x3] =	sbarrier.arrive $0xFFFF;
	s2 =	simm.s32 @!p0 $0x1C03  }
0x91: {  	[timem:s3], [sflag:s2] =	dma.local @!p0 [hbm:s0], s1  }
0x92: {  	s0 =	simm.s32 @!p0 $0x3  }
0x93: {  	_ =	swait.ge @!p0 [sflag:s0], s1  }
0x94: {  	s1 =	ssub.s32 @!p0 $0x0, s1;
	[sflag:s0] =	ssyncset.done @!p0 $0x0  }
0x95: {  	[sflag:s0] =	ssyncadd.s32 @!p0 s1  }
0x96: {  	[bflag:$0x3] =	sbarrier.arrive $0xFFFF  }
0x97: {  	_ =	shalt  }

// kernel: sparse-core-data-format-call.cloned.1.call-start
scs
called_computation_lowered:
.L_overlay_start_0:
0x0: {  	s2 =	sld [smem:$0x3FD9]  }
0x1: {  	s3 =	sld [smem:$0x3FFE];
	_ =	sdelay $0x1  }
0x2: {  	s1 =	srdreg.scid  }
0x3: {  	s0 =	sand.u32 $0x1, s1  }
0x4: {  	s18 =	sshll.u32 s0, $0xA;
	s2 =	sadd.s32 s3, s2  }
0x5: {  	s2 =	sadd.s32 s2, s18  }
0x6: {  	[smem:$0x3FC5] =	sst s2  }
0x7: {  	_ = 	snop  }
0x8: {  	s2 =	sld [smem:$0x3FD0];
	(tm) =	ssettm $0x1  }
0x9: {  	s19 =	sld [smem:$0x3FFB];
	_ =	sdelay $0x3  }
0xa: {  	_ =	strace s19  }
0xb: {  	s3 =	sld [smem:$0x3FFC];
	_ =	sdelay $0x3  }
0xc: {  	_ =	strace s3  }
0xd: {  	s3 =	sld [smem:$0x3FFD];
	_ =	sdelay $0x3  }
0xe: {  	_ =	strace s3  }
0xf: {  	_ =	strace $0x8FFFFFFF  }
0x10: {  	s20 =	sld [smem:$0x3FDB];
	_ =	sdelay $0x1  }
0x11: {  	s4 =	simm.s32 $_scs_section_size  }
0x12: {  	s5 =	simm.s32 $_size__tile_overlayer_lowered;
	s6 =	simm.s32 $_tile_overlayer_lowered  }
0x13: {  	s23 =	simm.s32 $0x1BFF;
	s22 =	sshll.u32 s6, $0x1;
	s3 =	sadd.s32 s4, s20  }
0x14: {  	s7 =	simm.s32 $0x0;
	s21 =	sshll.u32 s5, $0x1;
	s5 =	sadd.s32 s22, s3  }
0x15: {  	[timem:s7], [sflag:s23] =	dma.local [hbm:s5], s21  }
0x16: {  	_ =	swait.ge [sflag:s23], s21  }
0x17: {  	s4 =	ssub.s32 $0x0, s21;
	[sflag:s23] =	ssyncset.done $0x0  }
0x18: {  	[sflag:s23] =	ssyncadd.s32 s4;
	_ =	sdelay $0x1  }
0x19: {  	s24 =	simm.s32 $0x1B8B  }
0x1a: {  	_ =	swait.ge [sflag:s24], $0x1  }
0x1b: {  	[sflag:s24] =	ssyncset.done $0x0  }
0x1c: {  	s26 =	simm.s32 $0x1B8E;
	s25 =	sld [smem:$0x3FFE];
	[sflag:s24] =	ssyncadd.s32 $0xFFFFFFFF  }
0x1d: {  	s27 =	simm.s32 $execute0_lowered;
	[smem:$0x3FD2] =	sst s26  }
0x1e: {  	s5 =	sshll.u32 s27, $0x1;
	_ =	strace $0x80000049;
	[dreg:$0x1] =	wrdreg $0xFFFFFFFF  }
0x1f: {  	s28 =	simm.s32 $_size_execute0_lowered;
	s3 =	sadd.s32 s3, s5;
	[dreg:$0x0] =	wrdreg $0x0  }
0x20: {  	s5 =	sshll.u32 s28, $0x1;
	[dreg:$0x2] =	wrdreg s3  }
0x21: {  	[dreg:$0x3] =	wrdreg s5  }
0x22: {  	[dreg:$0x4] =	wrdreg $0xC0  }
0x23: {  	_ =	task [dreg:s7], $0x5FFFF  }
0x24: {  	[dreg:$0x1] =	wrdreg $0xFFFFFFFF  }
0x25: {  	[dreg:$0x0] =	wrdreg $0x60  }
0x26: {  	[dreg:$0x2] =	wrdreg s25  }
0x27: {  	[dreg:$0x3] =	wrdreg s2  }
0x28: {  	[dreg:$0x4] =	wrdreg $0x9  }
0x29: {  	_ =	task.clear_ibuf [dreg:s7], $0x5FFFF;
	_ =	strace $0x90000049  }
0x2a: {  	s29 =	simm.s32 $0x9;
	_ =	strace $0x8000004B  }
0x2b: {  	_ =	swait.ge [sflag:s29], $0x1  }
0x2c: {  	[sflag:s29] =	ssyncadd.s32 $0xFFFFFFFF  }
0x2d: {  	_ =	strace $0x9000004B  }
0x2e: {  	_ =	sfence  }
0x2f: {  	s30 =	sld [smem:$0x0];
	_ =	sdelay $0x2  }
0x30: {  	s31 =	sshll.u32 s1, $0xD;
	s1 =	sshrl.u32 s1, $0x2  }
0x31: {  	s3 =	sand.u32 $0x4000, s31;
	s1 =	sadd.s32 s1, s30  }
0x32: {  	s0 =	sor.u32 s3, s0;
	s1 =	sshll.u32 s1, $0x11  }
0x33: {  	s0 =	sor.u32 s1, s0  }
0x34: {  	s0 =	sadd.s32 $0x8F2B, s0  }
0x35: {  	[sflag:s0] =	ssyncadd.remote.s32 $0x1  }
0x36: {  	_ =	sfence.sel $0xFFFF  }
0x37: {  	[dreg:$0x0] =	wrdreg $0xFFFFFFFF;
	(pc) =	sbr.abs _section_cstart, $3  }
0x38: {  	[dreg:$0x1] =	wrdreg $0xFFFFFFFF  }
0x39: {  	_ =	task.clear_ibuf [dreg:s7], $0x2FFFF;
	_ =	strace $0x9FFFFFFF  }
0x3a: {  	(tm) =	ssettm $0x7FFFFFFF  }
0x3b: {  	_ =	shalt  }
tec
execute0_lowered:
.L_overlay_start_1:
0x0: {  	(tag) =	ssettag $0x1  }
0x1: {  	s7 =	rddreg [dreg:$0x0]  }
0x2: {  	s2 =	rddreg [dreg:$0x1]  }
0x3: {  	s0 =	stileid.u32;
	s1 =	srdreg.scid;
	s31 =	simm.s32 $0x2  }
0x4: {  	s14 =	simm.s32 $0x0;
	s15 =	simm.s32 $0x0;
	s13 =	simm.s32 $0x0  }
0x5: {  	s3 =	sshll.u32 s0, $0x5;
	s4 =	sshll.u32 s1, $0x9;
	s5 =	sshll.u32 s0, $0x1  }
0x6: {  	s1 =	rddreg [dreg:$0x2];
	s4 =	sor.u32 s3, s4;
	s3 =	sand.u32 $0x6, s5  }
0x7: {  	_ =	strace $0x8000004A;
	s4 =	sand.u32 $0x380, s4;
	s5 =	ssub.s32 $0xC8, s3  }
0x8: {  	s12 =	smov.u32 s3;
	s8 =	sshll.u32 s4, $0x4;
	s6 =	sand.u32 $0x6, s5  }
0x9: {  	s9 =	ssub.s32 $0x400, s4;
	s11 =	sshrl.u32 s5, $0x3;
	s5 =	simm.s32 $0x1  }
0xa: {  	p0 =	sne.s32 s6, $0x0;
	s6 =	simm.s32 $0x1;
	s10 =	sand.u32 $0x380, s9  }
0xb: {  	s6 =	simm.s32 @!p0 $0x0;
	p0 =	sne.s32 s10, $0x0;
	s10 =	simm.s32 $0x1  }
.Ltmp0:
0xc: {  	s9 =	sshrl.u32 s9, $0xA;
	s10 =	simm.s32 @!p0 $0x0;
	(pc) =	sbr.rel .LBB1_1-.Ltmp0, $4  }
0xd: {  	[sflag:s5] =	ssyncpa.u1 $0x0;
	s6 =	sadd.s32 s6, s11;
	s9 =	sadd.s32 s10, s9  }
0xe: {  	s8 =	sadd.s32 s8, s7;
	[sflag:s31] =	ssyncpa.u1 $0x0;
	s6 =	smul.u32 s6, s9  }
0xf: {  	s7 =	sadd.s32 $0xC00, s8;
	s8 =	sadd.s32 $0x4C00, s8;
	p0 =	por $0x0, $0x0  }
0x10: {  	s11 =	simm.s32 $0x2000;
	s10 =	simm.s32 $0x400;
	s9 =	sadd.s32 $0x1, s6  }
.LBB1_7:
0x11: {  	s16 =	sadd.s32 $0x8, s12  }
0x12: {  	p2 =	sgt.s32 s16, $0xC7  }
0x13: {  	s16 =	smov.u32 @p2 s3;
	p2 =	sne.s32 s13, s9  }
.Ltmp1:
0x14: {  	p1 =	slt.u32 s13, $0x2;
	(pc) =	sbr.rel @!p2 .LBB1_8-.Ltmp1, $4  }
0x15: {  	s14 =	simm.s32 @!p1 $0x2  }
0x16: {  	s17 =	sadd.s32 $0x1, s13;
	s15 =	smov.u32 s12;
	_ =	swait.ge @!p1 [sflag:s14], $0x4000  }
0x17: {  	p0 =	por !p0, !p0;
	s13 =	smov.u32 s17;
	[sflag:s14] =	ssyncset.done @!p1 $0x0  }
0x18: {  	s12 =	smov.u32 s16;
	[sflag:s14] =	ssyncadd.s32 @!p1 $0xFFFFC000;
	s14 =	smov.u32 s4  }
.LBB1_1:
0x19: {  	p1 =	sge.u32 s13, s6  }
0x1a: {  	s16 =	sxor.u32 @!p1 $0xFFFFFFFF, s13  }
0x1b: {  	s17 =	sshll.u32 @!p1 s12, $0xE;
	s19 =	simm.s32 @!p1 $0x40;
	s16 =	sshll.u32 @!p1 s16, $0xE  }
0x1c: {  	s20 =	simm.s32 @!p1 $0x80;
	s18 =	sadd.s32 @!p1 s17, s7;
	s16 =	sand.u32 @!p1 $0x4000, s16  }
0x1d: {  	[tilespmem:s16], [sflag:$0x1] =	stream.strided.gather @!p1 [hbm4b:s18+s19], $0x2000, s20, s19, $0x38;
	[tilespmem:$0x10100] =	vst v63  }
0x1e: {  	s31 =	sadd.s32 $0xFFFFFFFF, s13;
	s17 =	sadd.s32 @!p1 s17, s8;
	s16 =	sor.u32 @!p1 $0x2000, s16  }
0x1f: {  	[tilespmem:s16], [sflag:$0x1] =	stream.strided.gather @!p1 [hbm4b:s17+s19], $0x2000, s20, s19, $0x38;
	[tilespmem:$0x10100] =	vst v63  }
0x20: {  	p1 =	sge.u32 s31, s6  }
.Ltmp2:
0x21: {  	_ = 	snop;
	(pc) =	sbr.rel @p1 .LBB1_7-.Ltmp2, $1  }
0x22: {  	_ =	sdelay $0x3  }
0x23: {  	s16 =	simm.s32 $0x1;
	s18 =	sand.u32 $0x1, s13  }
0x24: {  	_ =	swait.ge [sflag:s5], $0x4000;
	s16 =	simm.s32 @!p0 $0x0;
	s18 =	smul.u32 $0x10200, s18  }
0x25: {  	p2 =	por $0x1, $0x1;
	[sflag:s5] =	ssyncset.done $0x0;
	s17 =	smul.u32 $0x10200, s16  }
0x26: {  	s19 =	sshll.u32 s16, $0x10;
	[sflag:s5] =	ssyncadd.s32 $0xFFFFC000;
	s30 =	sshrl.u32 s18, $0x2  }
0x27: {  	s31 =	sshrl.u32 s19, $0x2;
	s19 =	simm.s32 $0x0;
	s17 =	sshrl.u32 s17, $0x2  }
0x28: {  	s16 =	sor.u32 $0x8000, s30;
	s18 =	sadd.s32 $0x20, s31;
	s17 =	sor.u32 $0x8000, s17  }
.LBB1_3:
0x29: {  	s20 =	sshll.u32 s19, $0xD  }
0x2a: {  	s20 =	sand.u32 $0x3FFFE000, s20  }
0x2b: {  	s22 =	sadd.s32 s20, s18  }
0x2c: {  	s31 =	smul.u32 $0x8100, s19;
	v3 =	vld [tilespmem:s22+$0x10]  }
0x2d: {  	v1 =	vld [tilespmem:s22+$0xFFFFFFF0]  }
0x2e: {  	s19 =	sshra.s32 s31, $0x2;
	v0 =	vld [tilespmem:s22+$0x0]  }
0x2f: {  	s19 =	sadd.s32 s19, s17;
	v2 =	vld [tilespmem:s22+$0xFFFFFFE0]  }
0x30: {  	s20 =	sadd.s32 $0x0, s19  }
0x31: {  	p1 =	por p2, p2;
	s21 =	simm.s32 $0x4;
	s22 =	sadd.s32 $0x40, s22;
	[tilespmem:s20+$0x1830 ss:$0x81] =	vst.msk $0xffff, v3  }
.LBB1_4:
0x32: {  	v3 =	vld [tilespmem:s22+$0x10];
	p2 =	sne.s32 s21, $0x1FC;
	[tilespmem:s20+$0x810 ss:$0x81] =	vst.msk $0xffff, v1;
	s23 =	smov.u32 s21;
	s21 =	sadd.s32 $0x4, s21  }
.Ltmp3:
0x33: {  	v1 =	vld [tilespmem:s22+$0xFFFFFFF0];
	[tilespmem:s20+$0x1020 ss:$0x81] =	vst.msk $0xffff, v0;
	(pc) =	sbr.rel @p2 .LBB1_4-.Ltmp3, $4  }
0x34: {  	v0 =	vld [tilespmem:s22+$0x0];
	[tilespmem:s20+$0x0 ss:$0x81] =	vst.msk $0xffff, v2  }
0x35: {  	s20 =	sshra.s32 s23, $0x2;
	v2 =	vld [tilespmem:s22+$0xFFFFFFE0]  }
0x36: {  	s20 =	sadd.s32 s20, s19  }
0x37: {  	s22 =	sadd.s32 $0x40, s22;
	[tilespmem:s20+$0x1830 ss:$0x81] =	vst.msk $0xffff, v3  }
.Ltmp4:
0x38: {  	(pc) =	sbr.rel @p1 .LBB1_3-.Ltmp4, $4  }
0x39: {  	_ = 	snop  }
0x3a: {  	[tilespmem:s20+$0x810 ss:$0x81] =	vst.msk $0xffff, v1  }
0x3b: {  	[tilespmem:s20+$0x1020 ss:$0x81] =	vst.msk $0xffff, v0  }
0x3c: {  	s19 =	simm.s32 $0x1;
	p2 =	por $0x0, $0x0;
	[tilespmem:s20+$0x0 ss:$0x81] =	vst.msk $0xffff, v2  }
.Ltmp5:
0x3d: {  	(pc) =	sbr.rel .LBB1_7-.Ltmp5, $4  }
0x3e: {  	_ = 	snop  }
0x3f: {  	s15 =	sshll.u32 s15, $0xD;
	s14 =	sadd.s32 s2, s14  }
0x40: {  	s14 =	sadd.s32 s15, s14  }
0x41: {  	[hbm4b:s14+s10] =	stream.strided.scatter [tilespmem:s16], [sflag:$0x2], $0x4000, s11, s10, $0x20;
	[tilespmem:$0x10100] =	vst v63  }
.LBB1_8:
0x42: {  	_ =	sfence.sel $0x180000  }
0x43: {  	s2 =	simm.s32 $0x1;
	[bflag:$0x0] =	sbarrier.arrive $0xFFFF  }
0x44: {  	s31 =	simm.s32 $0x2;
	[sflag:s2] =	ssyncpa.u1 $0x1  }
0x45: {  	[sflag:s31] =	ssyncpa.u1 $0x1  }
0x46: {  	p0 =	sne.s32 s0, $0x0;
	_ =	strace $0x9000004A  }
0x47: {  	s0 =	sadd.s32 @!p0 $0x100000, s1;
	[bflag:$0x2] =	sbarrier.arrive $0xFFFF  }
0x48: {  	[sflag:s0] =	ssyncadd.tile.s32 @!p0 $0x1;
	_ =	shalt  }
.Lfunc_end1:
_tile_overlayer_lowered:
.L_overlay_start_2:
0x49: {  	(tag) =	ssettag $0x2  }
0x4a: {  	s0 =	rddreg [dreg:$0x0];
	s2 =	stileid.u32  }
0x4b: {  	s1 =	rddreg [dreg:$0x1];
	p0 =	sne.s32 s2, $0x0  }
0x4c: {  	s3 =	rddreg [dreg:$0x2];
	[bflag:$0x3] =	sbarrier.arrive $0xFFFF;
	s2 =	simm.s32 @!p0 $0x1C01  }
0x4d: {  	[timem:s3], [sflag:s2] =	dma.local @!p0 [hbm:s0], s1  }
0x4e: {  	s0 =	simm.s32 @!p0 $0x1  }
0x4f: {  	_ =	swait.ge @!p0 [sflag:s0], s1  }
0x50: {  	s1 =	ssub.s32 @!p0 $0x0, s1;
	[sflag:s0] =	ssyncset.done @!p0 $0x0  }
0x51: {  	[sflag:s0] =	ssyncadd.s32 @!p0 s1  }
0x52: {  	[bflag:$0x3] =	sbarrier.arrive $0xFFFF  }
0x53: {  	_ =	shalt  }

</sc_bundles>
